<compile_context>
chip_gen: v7x
topology: tpu7x:2x2x1
jax: 0.10.2.dev20260603
libtpu: 0.0.44.dev20260713+nightly
codegen_flags: <defaults>
</compile_context>

<pallas_src>
import functools

import jax
import jax.numpy as jnp
from jax import lax
from jax.experimental import pallas as pl
from jax.experimental.pallas import tpu as pltpu
from jax.experimental.pallas import tpu_sc as plsc

N = 10000
NP = 10240
SLICE = NP // 16
H1 = 16
L = 16

_MESH = dict(core_axis_name="c", subcore_axis_name="s")
_SC_PARAMS = pltpu.CompilerParams(use_tc_tiling_on_sc=False)
_SC_PARAMS_NOLAYOUT = pltpu.CompilerParams(use_tc_tiling_on_sc=False,
                                           needs_layout_passes=False)


def _fill(ref, n, value):
    def body(i, _):
        ref[pl.ds(i * L, L)] = jnp.full((L,), value, jnp.float32)
        return 0
    lax.fori_loop(0, n // L, body, 0)


def _deg_body(ew, dst_hbm, deg_hbm, deg_sp, zbuf, ones, idxb):
    cid = lax.axis_index("c")
    sid = lax.axis_index("s")

    @pl.when(cid == 0)
    def _():
        _fill(zbuf, SLICE, 0.0)
        _fill(ones, ew, 1.0)
        sl = pl.ds(sid * SLICE, SLICE)
        pltpu.sync_copy(zbuf, deg_sp.at[sl])
        pltpu.sync_copy(dst_hbm.at[pl.ds(sid * ew, ew)], idxb)
        plsc.subcore_barrier()
        pltpu.sync_copy(ones, deg_sp.at[idxb], add=True)
        plsc.subcore_barrier()
        pltpu.sync_copy(deg_sp.at[sl], deg_hbm.at[sl])


def _deg_hist(dst):
    e = dst.shape[0]
    ew = e // 16
    assert ew % 8 == 0
    return pl.kernel(
        functools.partial(_deg_body, ew),
        out_type=jax.ShapeDtypeStruct((NP,), jnp.float32),
        mesh=plsc.VectorSubcoreMesh(**_MESH),
        compiler_params=_SC_PARAMS,
        scratch_types=[
            pltpu.VMEM_SHARED((NP,), jnp.float32),
            pltpu.VMEM((SLICE,), jnp.float32),
            pltpu.VMEM((ew,), jnp.float32),
            pltpu.VMEM((ew,), jnp.int32),
        ],
    )(dst)


def _tc1_body(x_ref, w_ref, deg_ref, g1_ref, dis_ref):
    h = jnp.dot(x_ref[...], w_ref[...], preferred_element_type=jnp.float32)
    d = lax.rsqrt(deg_ref[...] + 1.0)
    dis_ref[...] = d
    g1_ref[...] = h * d


def _tc1(xp, w1, degc):
    blk = 1024
    return pl.pallas_call(
        _tc1_body,
        grid=(NP // blk,),
        in_specs=[
            pl.BlockSpec((blk, xp.shape[1]), lambda i: (i, 0)),
            pl.BlockSpec((xp.shape[1], H1), lambda i: (0, 0)),
            pl.BlockSpec((blk, 1), lambda i: (i, 0)),
        ],
        out_specs=[
            pl.BlockSpec((blk, H1), lambda i: (i, 0)),
            pl.BlockSpec((blk, 1), lambda i: (i, 0)),
        ],
        out_shape=[
            jax.ShapeDtypeStruct((NP, H1), jnp.float32),
            jax.ShapeDtypeStruct((NP, 1), jnp.float32),
        ],
    )(xp, w1, degc)


def _agg1_body(e32, g1_hbm, src_hbm, dst_hbm, p0_hbm, p1_hbm,
               acc_sp, zbuf, sidx, didx, rows, gsem):
    cid = lax.axis_index("c")
    sid = lax.axis_index("s")
    sl = pl.ds(sid * SLICE, SLICE)

    def z(i, _):
        zbuf[i] = jnp.zeros((L,), jnp.float32)
        return 0
    lax.fori_loop(0, SLICE, z, 0)
    pltpu.sync_copy(zbuf, acc_sp.at[sl])

    base = (cid * 16 + sid) * e32
    pltpu.sync_copy(src_hbm.at[pl.ds(base, e32)], sidx)
    pltpu.sync_copy(dst_hbm.at[pl.ds(base, e32)], didx)
    plsc.subcore_barrier()
    pltpu.async_copy(g1_hbm.at[sidx], rows, gsem).wait()
    pltpu.sync_copy(rows, acc_sp.at[didx], add=True)
    plsc.subcore_barrier()

    @pl.when(cid == 0)
    def _():
        pltpu.sync_copy(acc_sp.at[sl], p0_hbm.at[sl])

    @pl.when(cid == 1)
    def _():
        pltpu.sync_copy(acc_sp.at[sl], p1_hbm.at[sl])


def _agg1(g1, src, dst):
    e = src.shape[0]
    e32 = e // 32
    assert e32 % 8 == 0
    return pl.kernel(
        functools.partial(_agg1_body, e32),
        out_type=[
            jax.ShapeDtypeStruct((NP, H1), jnp.float32),
            jax.ShapeDtypeStruct((NP, H1), jnp.float32),
        ],
        mesh=plsc.VectorSubcoreMesh(**_MESH),
        compiler_params=_SC_PARAMS,
        scratch_types=[
            pltpu.VMEM_SHARED((NP, H1), jnp.float32),
            pltpu.VMEM((SLICE, H1), jnp.float32),
            pltpu.VMEM((e32,), jnp.int32),
            pltpu.VMEM((e32,), jnp.int32),
            pltpu.VMEM((e32, H1), jnp.float32),
            pltpu.SemaphoreType.DMA,
        ],
    )(g1, src, dst)


def _tc2_body(pa_ref, pb_ref, g1_ref, dis_ref, b1_ref, w2_ref, g2_ref):
    d = dis_ref[...]
    out1 = (pa_ref[...] + pb_ref[...] + g1_ref[...]) * d + b1_ref[...]
    r = jnp.maximum(out1, 0.0)
    h2 = jnp.dot(r, w2_ref[...], preferred_element_type=jnp.float32)
    g2_ref[...] = h2 * d


def _tc2(pa, pb, g1, dis, b1r, w2):
    blk = 2048
    return pl.pallas_call(
        _tc2_body,
        grid=(NP // blk,),
        in_specs=[
            pl.BlockSpec((blk, H1), lambda i: (i, 0)),
            pl.BlockSpec((blk, H1), lambda i: (i, 0)),
            pl.BlockSpec((blk, H1), lambda i: (i, 0)),
            pl.BlockSpec((blk, 1), lambda i: (i, 0)),
            pl.BlockSpec((1, H1), lambda i: (0, 0)),
            pl.BlockSpec((H1, 1), lambda i: (0, 0)),
        ],
        out_specs=pl.BlockSpec((blk, 1), lambda i: (i, 0)),
        out_shape=jax.ShapeDtypeStruct((NP, 1), jnp.float32),
    )(pa, pb, g1, dis, b1r, w2)


def _agg2_body(ew, g2_hbm, src_hbm, dst_hbm, dis_hbm, b2_hbm, out_hbm,
               acc_sp, g2t, sidx, didx, vals, zbuf, gbuf, dbuf, b2buf):
    cid = lax.axis_index("c")
    sid = lax.axis_index("s")

    @pl.when(cid == 0)
    def _():
        sl = pl.ds(sid * SLICE, SLICE)
        _fill(zbuf, SLICE, 0.0)
        pltpu.sync_copy(zbuf, acc_sp.at[sl])
        pltpu.sync_copy(g2_hbm, g2t)
        pltpu.sync_copy(b2_hbm, b2buf)
        base = sid * ew
        pltpu.sync_copy(src_hbm.at[pl.ds(base, ew)], sidx)
        pltpu.sync_copy(dst_hbm.at[pl.ds(base, ew)], didx)

        def gat(j, _):
            s = pl.ds(j * L, L)
            vals[s] = plsc.load_gather(g2t, [sidx[s]])
            return 0
        lax.fori_loop(0, ew // L, gat, 0)
        plsc.subcore_barrier()
        pltpu.sync_copy(vals, acc_sp.at[didx], add=True)
        plsc.subcore_barrier()

        pltpu.sync_copy(acc_sp.at[sl], gbuf)
        pltpu.sync_copy(dis_hbm.at[sl], dbuf)
        b2v = b2buf[...]

        def fin(i, _):
            s = pl.ds(i * L, L)
            gg = g2t[pl.ds(sid * SLICE + i * L, L)]
            gbuf[s] = (gbuf[s] + gg) * dbuf[s] + b2v
            return 0
        lax.fori_loop(0, SLICE // L, fin, 0)
        pltpu.sync_copy(gbuf, out_hbm.at[sl])


def _agg2(g2, src, dst, dis, b2t):
    e = src.shape[0]
    ew = e // 16
    assert ew % 8 == 0 and ew % L == 0
    return pl.kernel(
        functools.partial(_agg2_body, ew),
        out_type=jax.ShapeDtypeStruct((NP,), jnp.float32),
        mesh=plsc.VectorSubcoreMesh(**_MESH),
        compiler_params=_SC_PARAMS_NOLAYOUT,
        scratch_types=[
            pltpu.VMEM_SHARED((NP,), jnp.float32),
            pltpu.VMEM((NP,), jnp.float32),
            pltpu.VMEM((ew,), jnp.int32),
            pltpu.VMEM((ew,), jnp.int32),
            pltpu.VMEM((ew,), jnp.float32),
            pltpu.VMEM((SLICE,), jnp.float32),
            pltpu.VMEM((SLICE,), jnp.float32),
            pltpu.VMEM((SLICE,), jnp.float32),
            pltpu.VMEM((L,), jnp.float32),
        ],
    )(g2, src, dst, dis, b2t)


def kernel(x, edge_index, W1, b1, W2, b2):
    src = edge_index[0]
    dst = edge_index[1]
    xp = jnp.pad(x, ((0, NP - N), (0, 0)))
    deg = _deg_hist(dst)
    g1, dis = _tc1(xp, W1, deg.reshape(NP, 1))
    p0, p1 = _agg1(g1, src, dst)
    g2 = _tc2(p0, p1, g1, dis, b1.reshape(1, H1), W2)
    b2t = jnp.tile(b2, L)
    outp = _agg2(g2.reshape(NP), src, dst, dis.reshape(NP), b2t)
    return outp[:N].reshape(N, 1)

# --- scband reference (transcript-rebuilt; emitter-appended) ---
"""Pipeline reference for scband-risk-gnn-1400159338794 (READ-ONLY COPY).

The authoritative reference and input builder live on the scoring server;
editing this copy changes nothing except your own understanding.
"""

import jax, jax.numpy as jnp
import numpy as np

N = 10000
E = 160000
D_IN = 256
H1 = 16
H2 = 1


def setup_inputs(seed: int = 0) -> dict:
    key = jax.random.key(seed)
    k1, k2, k3, k4, k5, k6 = jax.random.split(key, 6)
    x = jax.random.normal(k1, (N, D_IN), dtype=jnp.float32)
    edge_index = jax.random.randint(k2, (2, E), 0, N, dtype=jnp.int32)
    W1 = jax.random.normal(k3, (D_IN, H1), dtype=jnp.float32) * (1.0 / np.sqrt(D_IN))
    b1 = jnp.zeros((H1,), dtype=jnp.float32)
    W2 = jax.random.normal(k4, (H1, H2), dtype=jnp.float32) * (1.0 / np.sqrt(H1))
    b2 = jnp.zeros((H2,), dtype=jnp.float32)
    return {"x": x, "edge_index": edge_index, "W1": W1, "b1": b1, "W2": W2, "b2": b2}


def _gcn_layer(x, edge_index, W, b):
    # GCNConv: x' = D^{-1/2} (A + I) D^{-1/2} X W + b
    src = edge_index[0]
    dst = edge_index[1]
    loop = jnp.arange(N, dtype=src.dtype)
    src = jnp.concatenate([src, loop])
    dst = jnp.concatenate([dst, loop])
    deg = jnp.zeros((N,), dtype=x.dtype).at[dst].add(1.0)
    deg_inv_sqrt = jnp.where(deg > 0, 1.0 / jnp.sqrt(deg), 0.0)
    norm = deg_inv_sqrt[src] * deg_inv_sqrt[dst]
    h = x @ W
    msgs = h[src] * norm[:, None]
    out = jnp.zeros((N, W.shape[1]), dtype=x.dtype).at[dst].add(msgs)
    return out + b


def reference(x, edge_index, W1, b1, W2, b2):
    h = _gcn_layer(x, edge_index, W1, b1)
    h = jax.nn.relu(h)
    out = _gcn_layer(h, edge_index, W2, b2)
    return out

if __name__ == "__main__":
    import jax
    _d = setup_inputs()
    print(jax.jit(kernel)(*tuple(_d.values())))

</pallas_src>

<mosaic_0001>
#map = affine_map<(d0, d1) -> (0)>
module attributes {stable_mosaic.version = 14 : i64} {
  func.func @_deg_body(%arg0: i32, %arg1: i32, %arg2: memref<160000xi32, #tpu.memory_space<hbm>>, %arg3: memref<10240xf32, #tpu.memory_space<hbm>>, %arg4: memref<10240xf32, #tpu.memory_space<vmem_shared>>, %arg5: memref<640xf32, #tpu.memory_space<vmem>>, %arg6: memref<10000xf32, #tpu.memory_space<vmem>>, %arg7: memref<10000xi32, #tpu.memory_space<vmem>>) attributes {dimension_semantics = [#tpu.dimension_semantics<core_parallel>, #tpu.dimension_semantics<subcore_parallel>], iteration_bounds = array<i64: 2, 16>, scalar_prefetch = 0 : i64, scratch_operands = 4 : i64, tpu.core_type = #tpu.core_type<sc_vector_subcore>, window_params = [{transform_indices = #map}, {transform_indices = #map}]} {
    %eq3A = arith.constant 0 : i32
    %eq3A_0 = arith.cmpi eq, %arg0, %eq3A : i32
    %convert_element_type3A = arith.extui %eq3A_0 : i1 to i32
    %cond3A = arith.constant 0 : i32
    %cond3A_1 = arith.cmpi ne, %convert_element_type3A, %cond3A : i32
    scf.if %cond3A_1 {
      %scan3A = arith.constant 0 : i32
      %scan3A_2 = arith.constant 0 : i32
      %scan3A_3 = arith.constant 40 : i32
      %scan3A_4 = arith.addi %scan3A_2, %scan3A_3 : i32
      %scan3A_5 = arith.constant 1 : i32
      %scan3A_6 = scf.for %scan3A_19 = %scan3A_2 to %scan3A_4 step %scan3A_5 iter_args(%scan3A_20 = %scan3A) -> (i32)  : i32 {
        %broadcast_in_dim3A = arith.constant 0.000000e+00 : f32
        %broadcast_in_dim3A_21 = vector.broadcast %broadcast_in_dim3A : f32 to vector<16xf32>
        %mul3A_22 = arith.constant 16 : i32
        %mul3A_23 = arith.muli %scan3A_19, %mul3A_22 : i32
        %swap3A = arith.index_cast %mul3A_23 : i32 to index
        %swap3A_24 = tpu.vector_load %arg5[%swap3A] {strides = array<i32>} : memref<640xf32, #tpu.memory_space<vmem>>, vector<16xf32>,
        %swap3A_25 = vector.shape_cast %swap3A_24 : vector<16xf32> to vector<16xf32>
        %swap3A_26 = vector.shape_cast %broadcast_in_dim3A_21 : vector<16xf32> to vector<16xf32>
        tpu.vector_store %arg5[%swap3A], %swap3A_26 {strides = array<i32>} : memref<640xf32, #tpu.memory_space<vmem>>, vector<16xf32>,
        %scan3A_27 = arith.constant 0 : i32
        scf.yield %scan3A_27 : i32
      }
      %scan3A_7 = arith.constant 40 : i32
      %scan3A_8 = arith.constant 0 : i32
      %scan3A_9 = arith.constant 0 : i32
      %scan3A_10 = arith.constant 625 : i32
      %scan3A_11 = arith.addi %scan3A_9, %scan3A_10 : i32
      %scan3A_12 = arith.constant 1 : i32
      %scan3A_13 = scf.for %scan3A_19 = %scan3A_9 to %scan3A_11 step %scan3A_12 iter_args(%scan3A_20 = %scan3A_8) -> (i32)  : i32 {
        %broadcast_in_dim3A = arith.constant 1.000000e+00 : f32
        %broadcast_in_dim3A_21 = vector.broadcast %broadcast_in_dim3A : f32 to vector<16xf32>
        %mul3A_22 = arith.constant 16 : i32
        %mul3A_23 = arith.muli %scan3A_19, %mul3A_22 : i32
        %swap3A = arith.index_cast %mul3A_23 : i32 to index
        %swap3A_24 = tpu.vector_load %arg6[%swap3A] {strides = array<i32>} : memref<10000xf32, #tpu.memory_space<vmem>>, vector<16xf32>,
        %swap3A_25 = vector.shape_cast %swap3A_24 : vector<16xf32> to vector<16xf32>
        %swap3A_26 = vector.shape_cast %broadcast_in_dim3A_21 : vector<16xf32> to vector<16xf32>
        tpu.vector_store %arg6[%swap3A], %swap3A_26 {strides = array<i32>} : memref<10000xf32, #tpu.memory_space<vmem>>, vector<16xf32>,
        %scan3A_27 = arith.constant 0 : i32
        scf.yield %scan3A_27 : i32
      }
      %scan3A_14 = arith.constant 625 : i32
      %mul3A = arith.constant 640 : i32
      %mul3A_15 = arith.muli %arg1, %mul3A : i32
      "tpu.region"() ({
        %run_scoped3A = tpu.sem_alloc : memref<!tpu.dma_semaphore, #tpu.memory_space<semaphore_mem>>
        %dma_start3A = tpu.memref_slice %arg4[%mul3A_15] : memref<10240xf32, #tpu.memory_space<vmem_shared>> -> memref<640xf32, #tpu.memory_space<vmem_shared>>
        %dma_start3A_19 = tpu.memref_slice %arg4[%mul3A_15] : memref<10240xf32, #tpu.memory_space<vmem_shared>> -> memref<640xf32, #tpu.memory_space<vmem_shared>>
        tpu.enqueue_dma source(%arg5 : memref<640xf32, #tpu.memory_space<vmem>>) target(%dma_start3A_19 : memref<640xf32, #tpu.memory_space<vmem_shared>>) target_semaphore(%run_scoped3A : memref<!tpu.dma_semaphore, #tpu.memory_space<semaphore_mem>>)
        %dma_wait3A = tpu.memref_slice %arg4[%mul3A_15] : memref<10240xf32, #tpu.memory_space<vmem_shared>> -> memref<640xf32, #tpu.memory_space<vmem_shared>>
        %dma_wait3A_20 = tpu.memref_slice %arg4[%mul3A_15] : memref<10240xf32, #tpu.memory_space<vmem_shared>> -> memref<640xf32, #tpu.memory_space<vmem_shared>>
        tpu.wait_dma2 semaphore(%run_scoped3A : memref<!tpu.dma_semaphore, #tpu.memory_space<semaphore_mem>>) src(%arg5 : memref<640xf32, #tpu.memory_space<vmem>>) dst(%dma_wait3A_20 : memref<640xf32, #tpu.memory_space<vmem_shared>>)
        tpu.yield
      }) : () -> ()
      %mul3A_16 = arith.constant 10000 : i32
      %mul3A_17 = arith.muli %arg1, %mul3A_16 : i32
      "tpu.region"() ({
        %run_scoped3A = tpu.sem_alloc : memref<!tpu.dma_semaphore, #tpu.memory_space<semaphore_mem>>
        %dma_start3A = tpu.memref_slice %arg2[%mul3A_17] : memref<160000xi32, #tpu.memory_space<hbm>> -> memref<10000xi32, #tpu.memory_space<hbm>>
        %dma_start3A_19 = tpu.memref_slice %arg2[%mul3A_17] : memref<160000xi32, #tpu.memory_space<hbm>> -> memref<10000xi32, #tpu.memory_space<hbm>>
        tpu.enqueue_dma source(%dma_start3A_19 : memref<10000xi32, #tpu.memory_space<hbm>>) target(%arg7 : memref<10000xi32, #tpu.memory_space<vmem>>) target_semaphore(%run_scoped3A : memref<!tpu.dma_semaphore, #tpu.memory_space<semaphore_mem>>)
        %dma_wait3A = tpu.memref_slice %arg2[%mul3A_17] : memref<160000xi32, #tpu.memory_space<hbm>> -> memref<10000xi32, #tpu.memory_space<hbm>>
        %dma_wait3A_20 = tpu.memref_slice %arg2[%mul3A_17] : memref<160000xi32, #tpu.memory_space<hbm>> -> memref<10000xi32, #tpu.memory_space<hbm>>
        tpu.wait_dma2 semaphore(%run_scoped3A : memref<!tpu.dma_semaphore, #tpu.memory_space<semaphore_mem>>) src(%dma_wait3A_20 : memref<10000xi32, #tpu.memory_space<hbm>>) dst(%arg7 : memref<10000xi32, #tpu.memory_space<vmem>>)
        tpu.yield
      }) : () -> ()
      %barrier3A = arith.constant 0 : index
      tpu.barrier barrier_id(%barrier3A)
      "tpu.region"() ({
        %run_scoped3A = tpu.sem_alloc : memref<!tpu.dma_semaphore, #tpu.memory_space<semaphore_mem>>
        %dma_start3A = arith.constant 0 : i32
        %dma_start3A_19 = tpu.memref_slice %arg4[%dma_start3A] : memref<10240xf32, #tpu.memory_space<vmem_shared>> -> memref<10240xf32, #tpu.memory_space<vmem_shared>>
        tpu.enqueue_indirect_dma source(%arg6 : memref<10000xf32, #tpu.memory_space<vmem>>) target(%dma_start3A_19 : memref<10240xf32, #tpu.memory_space<vmem_shared>>) offsets(%arg7 : memref<10000xi32, #tpu.memory_space<vmem>>) semaphore(%run_scoped3A : memref<!tpu.dma_semaphore, #tpu.memory_space<semaphore_mem>>) {add = true}
        %dma_wait3A = arith.constant 0 : i32
        %dma_wait3A_20 = tpu.memref_slice %arg4[%dma_wait3A] : memref<10240xf32, #tpu.memory_space<vmem_shared>> -> memref<10240xf32, #tpu.memory_space<vmem_shared>>
        tpu.wait_indirect_dma semaphore(%run_scoped3A : memref<!tpu.dma_semaphore, #tpu.memory_space<semaphore_mem>>) src(%arg6 : memref<10000xf32, #tpu.memory_space<vmem>>) dst(%dma_wait3A_20 : memref<10240xf32, #tpu.memory_space<vmem_shared>>)
        tpu.yield
      }) : () -> ()
      %barrier3A_18 = arith.constant 0 : index
      tpu.barrier barrier_id(%barrier3A_18)
      "tpu.region"() ({
        %run_scoped3A = tpu.sem_alloc : memref<!tpu.dma_semaphore, #tpu.memory_space<semaphore_mem>>
        %dma_start3A = tpu.memref_slice %arg3[%mul3A_15] : memref<10240xf32, #tpu.memory_space<hbm>> -> memref<640xf32, #tpu.memory_space<hbm>>
        %dma_start3A_19 = tpu.memref_slice %arg4[%mul3A_15] : memref<10240xf32, #tpu.memory_space<vmem_shared>> -> memref<640xf32, #tpu.memory_space<vmem_shared>>
        tpu.enqueue_dma source(%dma_start3A_19 : memref<640xf32, #tpu.memory_space<vmem_shared>>) target(%dma_start3A : memref<640xf32, #tpu.memory_space<hbm>>) target_semaphore(%run_scoped3A : memref<!tpu.dma_semaphore, #tpu.memory_space<semaphore_mem>>)
        %dma_wait3A = tpu.memref_slice %arg3[%mul3A_15] : memref<10240xf32, #tpu.memory_space<hbm>> -> memref<640xf32, #tpu.memory_space<hbm>>
        %dma_wait3A_20 = tpu.memref_slice %arg4[%mul3A_15] : memref<10240xf32, #tpu.memory_space<vmem_shared>> -> memref<640xf32, #tpu.memory_space<vmem_shared>>
        tpu.wait_dma2 semaphore(%run_scoped3A : memref<!tpu.dma_semaphore, #tpu.memory_space<semaphore_mem>>) src(%dma_wait3A_20 : memref<640xf32, #tpu.memory_space<vmem_shared>>) dst(%dma_wait3A : memref<640xf32, #tpu.memory_space<hbm>>)
        tpu.yield
      }) : () -> ()
    } else {
    }
    return
  }
}

#map = affine_map<(d0, d1) -> (0)>
module attributes {stable_mosaic.version = 14 : i64} {
  func.func @_agg2_body(%arg0: i32, %arg1: i32, %arg2: memref<10240xf32, #tpu.memory_space<hbm>>, %arg3: memref<160000xi32, #tpu.memory_space<hbm>>, %arg4: memref<160000xi32, #tpu.memory_space<hbm>>, %arg5: memref<10240xf32, #tpu.memory_space<hbm>>, %arg6: memref<16xf32, #tpu.memory_space<hbm>>, %arg7: memref<10240xf32, #tpu.memory_space<hbm>>, %arg8: memref<10240xf32, #tpu.memory_space<vmem_shared>>, %arg9: memref<10240xf32, #tpu.memory_space<vmem>>, %arg10: memref<10000xi32, #tpu.memory_space<vmem>>, %arg11: memref<10000xi32, #tpu.memory_space<vmem>>, %arg12: memref<10000xf32, #tpu.memory_space<vmem>>, %arg13: memref<640xf32, #tpu.memory_space<vmem>>, %arg14: memref<640xf32, #tpu.memory_space<vmem>>, %arg15: memref<640xf32, #tpu.memory_space<vmem>>, %arg16: memref<16xf32, #tpu.memory_space<vmem>>) attributes {dimension_semantics = [#tpu.dimension_semantics<core_parallel>, #tpu.dimension_semantics<subcore_parallel>], iteration_bounds = array<i64: 2, 16>, scalar_prefetch = 0 : i64, scratch_operands = 9 : i64, tpu.core_type = #tpu.core_type<sc_vector_subcore>, window_params = [{transform_indices = #map}, {transform_indices = #map}, {transform_indices = #map}, {transform_indices = #map}, {transform_indices = #map}, {transform_indices = #map}]} {
    %eq3A = arith.constant 0 : i32
    %eq3A_0 = arith.cmpi eq, %arg0, %eq3A : i32
    %convert_element_type3A = arith.extui %eq3A_0 : i1 to i32
    %cond3A = arith.constant 0 : i32
    %cond3A_1 = arith.cmpi ne, %convert_element_type3A, %cond3A : i32
    scf.if %cond3A_1 {
      %mul3A = arith.constant 640 : i32
      %mul3A_2 = arith.muli %arg1, %mul3A : i32
      %scan3A = arith.constant 0 : i32
      %scan3A_3 = arith.constant 0 : i32
      %scan3A_4 = arith.constant 40 : i32
      %scan3A_5 = arith.addi %scan3A_3, %scan3A_4 : i32
      %scan3A_6 = arith.constant 1 : i32
      %scan3A_7 = scf.for %scan3A_27 = %scan3A_3 to %scan3A_5 step %scan3A_6 iter_args(%scan3A_28 = %scan3A) -> (i32)  : i32 {
        %broadcast_in_dim3A = arith.constant 0.000000e+00 : f32
        %broadcast_in_dim3A_29 = vector.broadcast %broadcast_in_dim3A : f32 to vector<16xf32>
        %mul3A_30 = arith.constant 16 : i32
        %mul3A_31 = arith.muli %scan3A_27, %mul3A_30 : i32
        %swap3A = arith.index_cast %mul3A_31 : i32 to index
        %swap3A_32 = tpu.vector_load %arg13[%swap3A] {strides = array<i32>} : memref<640xf32, #tpu.memory_space<vmem>>, vector<16xf32>,
        %swap3A_33 = vector.shape_cast %swap3A_32 : vector<16xf32> to vector<16xf32>
        %swap3A_34 = vector.shape_cast %broadcast_in_dim3A_29 : vector<16xf32> to vector<16xf32>
        tpu.vector_store %arg13[%swap3A], %swap3A_34 {strides = array<i32>} : memref<640xf32, #tpu.memory_space<vmem>>, vector<16xf32>,
        %scan3A_35 = arith.constant 0 : i32
        scf.yield %scan3A_35 : i32
      }
      %scan3A_8 = arith.constant 40 : i32
      "tpu.region"() ({
        %run_scoped3A = tpu.sem_alloc : memref<!tpu.dma_semaphore, #tpu.memory_space<semaphore_mem>>
        %dma_start3A = tpu.memref_slice %arg8[%mul3A_2] : memref<10240xf32, #tpu.memory_space<vmem_shared>> -> memref<640xf32, #tpu.memory_space<vmem_shared>>
        %dma_start3A_27 = tpu.memref_slice %arg8[%mul3A_2] : memref<10240xf32, #tpu.memory_space<vmem_shared>> -> memref<640xf32, #tpu.memory_space<vmem_shared>>
        tpu.enqueue_dma source(%arg13 : memref<640xf32, #tpu.memory_space<vmem>>) target(%dma_start3A_27 : memref<640xf32, #tpu.memory_space<vmem_shared>>) target_semaphore(%run_scoped3A : memref<!tpu.dma_semaphore, #tpu.memory_space<semaphore_mem>>)
        %dma_wait3A = tpu.memref_slice %arg8[%mul3A_2] : memref<10240xf32, #tpu.memory_space<vmem_shared>> -> memref<640xf32, #tpu.memory_space<vmem_shared>>
        %dma_wait3A_28 = tpu.memref_slice %arg8[%mul3A_2] : memref<10240xf32, #tpu.memory_space<vmem_shared>> -> memref<640xf32, #tpu.memory_space<vmem_shared>>
        tpu.wait_dma2 semaphore(%run_scoped3A : memref<!tpu.dma_semaphore, #tpu.memory_space<semaphore_mem>>) src(%arg13 : memref<640xf32, #tpu.memory_space<vmem>>) dst(%dma_wait3A_28 : memref<640xf32, #tpu.memory_space<vmem_shared>>)
        tpu.yield
      }) : () -> ()
      "tpu.region"() ({
        %run_scoped3A = tpu.sem_alloc : memref<!tpu.dma_semaphore, #tpu.memory_space<semaphore_mem>>
        tpu.enqueue_dma source(%arg2 : memref<10240xf32, #tpu.memory_space<hbm>>) target(%arg9 : memref<10240xf32, #tpu.memory_space<vmem>>) target_semaphore(%run_scoped3A : memref<!tpu.dma_semaphore, #tpu.memory_space<semaphore_mem>>)
        tpu.wait_dma2 semaphore(%run_scoped3A : memref<!tpu.dma_semaphore, #tpu.memory_space<semaphore_mem>>) src(%arg2 : memref<10240xf32, #tpu.memory_space<hbm>>) dst(%arg9 : memref<10240xf32, #tpu.memory_space<vmem>>)
        tpu.yield
      }) : () -> ()
      "tpu.region"() ({
        %run_scoped3A = tpu.sem_alloc : memref<!tpu.dma_semaphore, #tpu.memory_space<semaphore_mem>>
        tpu.enqueue_dma source(%arg6 : memref<16xf32, #tpu.memory_space<hbm>>) target(%arg16 : memref<16xf32, #tpu.memory_space<vmem>>) target_semaphore(%run_scoped3A : memref<!tpu.dma_semaphore, #tpu.memory_space<semaphore_mem>>)
        tpu.wait_dma2 semaphore(%run_scoped3A : memref<!tpu.dma_semaphore, #tpu.memory_space<semaphore_mem>>) src(%arg6 : memref<16xf32, #tpu.memory_space<hbm>>) dst(%arg16 : memref<16xf32, #tpu.memory_space<vmem>>)
        tpu.yield
      }) : () -> ()
      %mul3A_9 = arith.constant 10000 : i32
      %mul3A_10 = arith.muli %arg1, %mul3A_9 : i32
      "tpu.region"() ({
        %run_scoped3A = tpu.sem_alloc : memref<!tpu.dma_semaphore, #tpu.memory_space<semaphore_mem>>
        %dma_start3A = tpu.memref_slice %arg3[%mul3A_10] : memref<160000xi32, #tpu.memory_space<hbm>> -> memref<10000xi32, #tpu.memory_space<hbm>>
        %dma_start3A_27 = tpu.memref_slice %arg3[%mul3A_10] : memref<160000xi32, #tpu.memory_space<hbm>> -> memref<10000xi32, #tpu.memory_space<hbm>>
        tpu.enqueue_dma source(%dma_start3A_27 : memref<10000xi32, #tpu.memory_space<hbm>>) target(%arg10 : memref<10000xi32, #tpu.memory_space<vmem>>) target_semaphore(%run_scoped3A : memref<!tpu.dma_semaphore, #tpu.memory_space<semaphore_mem>>)
        %dma_wait3A = tpu.memref_slice %arg3[%mul3A_10] : memref<160000xi32, #tpu.memory_space<hbm>> -> memref<10000xi32, #tpu.memory_space<hbm>>
        %dma_wait3A_28 = tpu.memref_slice %arg3[%mul3A_10] : memref<160000xi32, #tpu.memory_space<hbm>> -> memref<10000xi32, #tpu.memory_space<hbm>>
        tpu.wait_dma2 semaphore(%run_scoped3A : memref<!tpu.dma_semaphore, #tpu.memory_space<semaphore_mem>>) src(%dma_wait3A_28 : memref<10000xi32, #tpu.memory_space<hbm>>) dst(%arg10 : memref<10000xi32, #tpu.memory_space<vmem>>)
        tpu.yield
      }) : () -> ()
      "tpu.region"() ({
        %run_scoped3A = tpu.sem_alloc : memref<!tpu.dma_semaphore, #tpu.memory_space<semaphore_mem>>
        %dma_start3A = tpu.memref_slice %arg4[%mul3A_10] : memref<160000xi32, #tpu.memory_space<hbm>> -> memref<10000xi32, #tpu.memory_space<hbm>>
        %dma_start3A_27 = tpu.memref_slice %arg4[%mul3A_10] : memref<160000xi32, #tpu.memory_space<hbm>> -> memref<10000xi32, #tpu.memory_space<hbm>>
        tpu.enqueue_dma source(%dma_start3A_27 : memref<10000xi32, #tpu.memory_space<hbm>>) target(%arg11 : memref<10000xi32, #tpu.memory_space<vmem>>) target_semaphore(%run_scoped3A : memref<!tpu.dma_semaphore, #tpu.memory_space<semaphore_mem>>)
        %dma_wait3A = tpu.memref_slice %arg4[%mul3A_10] : memref<160000xi32, #tpu.memory_space<hbm>> -> memref<10000xi32, #tpu.memory_space<hbm>>
        %dma_wait3A_28 = tpu.memref_slice %arg4[%mul3A_10] : memref<160000xi32, #tpu.memory_space<hbm>> -> memref<10000xi32, #tpu.memory_space<hbm>>
        tpu.wait_dma2 semaphore(%run_scoped3A : memref<!tpu.dma_semaphore, #tpu.memory_space<semaphore_mem>>) src(%dma_wait3A_28 : memref<10000xi32, #tpu.memory_space<hbm>>) dst(%arg11 : memref<10000xi32, #tpu.memory_space<vmem>>)
        tpu.yield
      }) : () -> ()
      %scan3A_11 = arith.constant 0 : i32
      %scan3A_12 = arith.constant 0 : i32
      %scan3A_13 = arith.constant 625 : i32
      %scan3A_14 = arith.addi %scan3A_12, %scan3A_13 : i32
      %scan3A_15 = arith.constant 1 : i32
      %scan3A_16 = scf.for %scan3A_27 = %scan3A_12 to %scan3A_14 step %scan3A_15 iter_args(%scan3A_28 = %scan3A_11) -> (i32)  : i32 {
        %mul3A_29 = arith.constant 16 : i32
        %mul3A_30 = arith.muli %scan3A_27, %mul3A_29 : i32
        %get3A_31 = arith.index_cast %mul3A_30 : i32 to index
        %get3A_32 = tpu.vector_load %arg10[%get3A_31] {strides = array<i32>} : memref<10000xi32, #tpu.memory_space<vmem>>, vector<16xi32>,
        %gather3A = tpu.vector_load_idx %arg9[%get3A_32] : memref<10240xf32, #tpu.memory_space<vmem>>[vector<16xi32>], vector<16xf32>,
        %swap3A = arith.index_cast %mul3A_30 : i32 to index
        %swap3A_33 = tpu.vector_load %arg12[%swap3A] {strides = array<i32>} : memref<10000xf32, #tpu.memory_space<vmem>>, vector<16xf32>,
        %swap3A_34 = vector.shape_cast %swap3A_33 : vector<16xf32> to vector<16xf32>
        %swap3A_35 = vector.shape_cast %gather3A : vector<16xf32> to vector<16xf32>
        tpu.vector_store %arg12[%swap3A], %swap3A_35 {strides = array<i32>} : memref<10000xf32, #tpu.memory_space<vmem>>, vector<16xf32>,
        %scan3A_36 = arith.constant 0 : i32
        scf.yield %scan3A_36 : i32
      }
      %scan3A_17 = arith.constant 625 : i32
      %barrier3A = arith.constant 0 : index
      tpu.barrier barrier_id(%barrier3A)
      "tpu.region"() ({
        %run_scoped3A = tpu.sem_alloc : memref<!tpu.dma_semaphore, #tpu.memory_space<semaphore_mem>>
        %dma_start3A = arith.constant 0 : i32
        %dma_start3A_27 = tpu.memref_slice %arg8[%dma_start3A] : memref<10240xf32, #tpu.memory_space<vmem_shared>> -> memref<10240xf32, #tpu.memory_space<vmem_shared>>
        tpu.enqueue_indirect_dma source(%arg12 : memref<10000xf32, #tpu.memory_space<vmem>>) target(%dma_start3A_27 : memref<10240xf32, #tpu.memory_space<vmem_shared>>) offsets(%arg11 : memref<10000xi32, #tpu.memory_space<vmem>>) semaphore(%run_scoped3A : memref<!tpu.dma_semaphore, #tpu.memory_space<semaphore_mem>>) {add = true}
        %dma_wait3A = arith.constant 0 : i32
        %dma_wait3A_28 = tpu.memref_slice %arg8[%dma_wait3A] : memref<10240xf32, #tpu.memory_space<vmem_shared>> -> memref<10240xf32, #tpu.memory_space<vmem_shared>>
        tpu.wait_indirect_dma semaphore(%run_scoped3A : memref<!tpu.dma_semaphore, #tpu.memory_space<semaphore_mem>>) src(%arg12 : memref<10000xf32, #tpu.memory_space<vmem>>) dst(%dma_wait3A_28 : memref<10240xf32, #tpu.memory_space<vmem_shared>>)
        tpu.yield
      }) : () -> ()
      %barrier3A_18 = arith.constant 0 : index
      tpu.barrier barrier_id(%barrier3A_18)
      "tpu.region"() ({
        %run_scoped3A = tpu.sem_alloc : memref<!tpu.dma_semaphore, #tpu.memory_space<semaphore_mem>>
        %dma_start3A = tpu.memref_slice %arg8[%mul3A_2] : memref<10240xf32, #tpu.memory_space<vmem_shared>> -> memref<640xf32, #tpu.memory_space<vmem_shared>>
        %dma_start3A_27 = tpu.memref_slice %arg8[%mul3A_2] : memref<10240xf32, #tpu.memory_space<vmem_shared>> -> memref<640xf32, #tpu.memory_space<vmem_shared>>
        tpu.enqueue_dma source(%dma_start3A_27 : memref<640xf32, #tpu.memory_space<vmem_shared>>) target(%arg14 : memref<640xf32, #tpu.memory_space<vmem>>) target_semaphore(%run_scoped3A : memref<!tpu.dma_semaphore, #tpu.memory_space<semaphore_mem>>)
        %dma_wait3A = tpu.memref_slice %arg8[%mul3A_2] : memref<10240xf32, #tpu.memory_space<vmem_shared>> -> memref<640xf32, #tpu.memory_space<vmem_shared>>
        %dma_wait3A_28 = tpu.memref_slice %arg8[%mul3A_2] : memref<10240xf32, #tpu.memory_space<vmem_shared>> -> memref<640xf32, #tpu.memory_space<vmem_shared>>
        tpu.wait_dma2 semaphore(%run_scoped3A : memref<!tpu.dma_semaphore, #tpu.memory_space<semaphore_mem>>) src(%dma_wait3A_28 : memref<640xf32, #tpu.memory_space<vmem_shared>>) dst(%arg14 : memref<640xf32, #tpu.memory_space<vmem>>)
        tpu.yield
      }) : () -> ()
      "tpu.region"() ({
        %run_scoped3A = tpu.sem_alloc : memref<!tpu.dma_semaphore, #tpu.memory_space<semaphore_mem>>
        %dma_start3A = tpu.memref_slice %arg5[%mul3A_2] : memref<10240xf32, #tpu.memory_space<hbm>> -> memref<640xf32, #tpu.memory_space<hbm>>
        %dma_start3A_27 = tpu.memref_slice %arg5[%mul3A_2] : memref<10240xf32, #tpu.memory_space<hbm>> -> memref<640xf32, #tpu.memory_space<hbm>>
        tpu.enqueue_dma source(%dma_start3A_27 : memref<640xf32, #tpu.memory_space<hbm>>) target(%arg15 : memref<640xf32, #tpu.memory_space<vmem>>) target_semaphore(%run_scoped3A : memref<!tpu.dma_semaphore, #tpu.memory_space<semaphore_mem>>)
        %dma_wait3A = tpu.memref_slice %arg5[%mul3A_2] : memref<10240xf32, #tpu.memory_space<hbm>> -> memref<640xf32, #tpu.memory_space<hbm>>
        %dma_wait3A_28 = tpu.memref_slice %arg5[%mul3A_2] : memref<10240xf32, #tpu.memory_space<hbm>> -> memref<640xf32, #tpu.memory_space<hbm>>
        tpu.wait_dma2 semaphore(%run_scoped3A : memref<!tpu.dma_semaphore, #tpu.memory_space<semaphore_mem>>) src(%dma_wait3A_28 : memref<640xf32, #tpu.memory_space<hbm>>) dst(%arg15 : memref<640xf32, #tpu.memory_space<vmem>>)
        tpu.yield
      }) : () -> ()
      %get3A = arith.constant 0 : index
      %get3A_19 = tpu.vector_load %arg16[%get3A] {strides = array<i32>} : memref<16xf32, #tpu.memory_space<vmem>>, vector<16xf32>,
      %scan3A_20 = arith.constant 0 : i32
      %scan3A_21 = arith.constant 0 : i32
      %scan3A_22 = arith.constant 40 : i32
      %scan3A_23 = arith.addi %scan3A_21, %scan3A_22 : i32
      %scan3A_24 = arith.constant 1 : i32
      %scan3A_25 = scf.for %scan3A_27 = %scan3A_21 to %scan3A_23 step %scan3A_24 iter_args(%scan3A_28 = %scan3A_20) -> (i32)  : i32 {
        %mul3A_29 = arith.constant 16 : i32
        %mul3A_30 = arith.muli %scan3A_27, %mul3A_29 : i32
        %mul3A_31 = arith.constant 640 : i32
        %mul3A_32 = arith.muli %arg1, %mul3A_31 : i32
        %mul3A_33 = arith.constant 16 : i32
        %mul3A_34 = arith.muli %scan3A_27, %mul3A_33 : i32
        %add3A = arith.addi %mul3A_32, %mul3A_34 : i32
        %get3A_35 = arith.index_cast %add3A : i32 to index
        %get3A_36 = tpu.vector_load %arg9[%get3A_35] {strides = array<i32>} : memref<10240xf32, #tpu.memory_space<vmem>>, vector<16xf32>,
        %get3A_37 = arith.index_cast %mul3A_30 : i32 to index
        %get3A_38 = tpu.vector_load %arg14[%get3A_37] {strides = array<i32>} : memref<640xf32, #tpu.memory_space<vmem>>, vector<16xf32>,
        %add3A_39 = arith.addf %get3A_38, %get3A_36 : vector<16xf32>
        %get3A_40 = arith.index_cast %mul3A_30 : i32 to index
        %get3A_41 = tpu.vector_load %arg15[%get3A_40] {strides = array<i32>} : memref<640xf32, #tpu.memory_space<vmem>>, vector<16xf32>,
        %mul3A_42 = arith.mulf %add3A_39, %get3A_41 : vector<16xf32>
        %add3A_43 = arith.addf %mul3A_42, %get3A_19 : vector<16xf32>
        %swap3A = arith.index_cast %mul3A_30 : i32 to index
        %swap3A_44 = tpu.vector_load %arg14[%swap3A] {strides = array<i32>} : memref<640xf32, #tpu.memory_space<vmem>>, vector<16xf32>,
        %swap3A_45 = vector.shape_cast %swap3A_44 : vector<16xf32> to vector<16xf32>
        %swap3A_46 = vector.shape_cast %add3A_43 : vector<16xf32> to vector<16xf32>
        tpu.vector_store %arg14[%swap3A], %swap3A_46 {strides = array<i32>} : memref<640xf32, #tpu.memory_space<vmem>>, vector<16xf32>,
        %scan3A_47 = arith.constant 0 : i32
        scf.yield %scan3A_47 : i32
      }
      %scan3A_26 = arith.constant 40 : i32
      "tpu.region"() ({
        %run_scoped3A = tpu.sem_alloc : memref<!tpu.dma_semaphore, #tpu.memory_space<semaphore_mem>>
        %dma_start3A = tpu.memref_slice %arg7[%mul3A_2] : memref<10240xf32, #tpu.memory_space<hbm>> -> memref<640xf32, #tpu.memory_space<hbm>>
        %dma_start3A_27 = tpu.memref_slice %arg7[%mul3A_2] : memref<10240xf32, #tpu.memory_space<hbm>> -> memref<640xf32, #tpu.memory_space<hbm>>
        tpu.enqueue_dma source(%arg14 : memref<640xf32, #tpu.memory_space<vmem>>) target(%dma_start3A_27 : memref<640xf32, #tpu.memory_space<hbm>>) target_semaphore(%run_scoped3A : memref<!tpu.dma_semaphore, #tpu.memory_space<semaphore_mem>>)
        %dma_wait3A = tpu.memref_slice %arg7[%mul3A_2] : memref<10240xf32, #tpu.memory_space<hbm>> -> memref<640xf32, #tpu.memory_space<hbm>>
        %dma_wait3A_28 = tpu.memref_slice %arg7[%mul3A_2] : memref<10240xf32, #tpu.memory_space<hbm>> -> memref<640xf32, #tpu.memory_space<hbm>>
        tpu.wait_dma2 semaphore(%run_scoped3A : memref<!tpu.dma_semaphore, #tpu.memory_space<semaphore_mem>>) src(%arg14 : memref<640xf32, #tpu.memory_space<vmem>>) dst(%dma_wait3A_28 : memref<640xf32, #tpu.memory_space<hbm>>)
        tpu.yield
      }) : () -> ()
    } else {
    }
    return
  }
}

#map = affine_map<(d0, d1) -> (0, 0)>
#map1 = affine_map<(d0, d1) -> (0)>
module attributes {stable_mosaic.version = 14 : i64} {
  func.func @_agg1_body(%arg0: i32, %arg1: i32, %arg2: memref<10240x16xf32, #tpu.memory_space<hbm>>, %arg3: memref<160000xi32, #tpu.memory_space<hbm>>, %arg4: memref<160000xi32, #tpu.memory_space<hbm>>, %arg5: memref<10240x16xf32, #tpu.memory_space<hbm>>, %arg6: memref<10240x16xf32, #tpu.memory_space<hbm>>, %arg7: memref<10240x16xf32, #tpu.memory_space<vmem_shared>>, %arg8: memref<640x16xf32, #tpu.memory_space<vmem>>, %arg9: memref<5000xi32, #tpu.memory_space<vmem>>, %arg10: memref<5000xi32, #tpu.memory_space<vmem>>, %arg11: memref<5000x16xf32, #tpu.memory_space<vmem>>, %arg12: memref<!tpu.dma_semaphore, #tpu.memory_space<semaphore_mem>>) attributes {dimension_semantics = [#tpu.dimension_semantics<core_parallel>, #tpu.dimension_semantics<subcore_parallel>], iteration_bounds = array<i64: 2, 16>, scalar_prefetch = 0 : i64, scratch_operands = 6 : i64, tpu.core_type = #tpu.core_type<sc_vector_subcore>, window_params = [{transform_indices = #map}, {transform_indices = #map1}, {transform_indices = #map1}, {transform_indices = #map}, {transform_indices = #map}]} {
    %mul3A = arith.constant 640 : i32
    %mul3A_0 = arith.muli %arg1, %mul3A : i32
    %scan3A = arith.constant 0 : i32
    %scan3A_1 = arith.constant 0 : i32
    %scan3A_2 = arith.constant 640 : i32
    %scan3A_3 = arith.addi %scan3A_1, %scan3A_2 : i32
    %scan3A_4 = arith.constant 1 : i32
    %scan3A_5 = scf.for %scan3A_23 = %scan3A_1 to %scan3A_3 step %scan3A_4 iter_args(%scan3A_24 = %scan3A) -> (i32)  : i32 {
      %broadcast_in_dim3A = arith.constant 0.000000e+00 : f32
      %broadcast_in_dim3A_25 = vector.broadcast %broadcast_in_dim3A : f32 to vector<16xf32>
      %swap3A = arith.index_cast %scan3A_23 : i32 to index
      %swap3A_26 = arith.constant 0 : index
      %swap3A_27 = tpu.vector_load %arg8[%swap3A, %swap3A_26] {strides = array<i32>} : memref<640x16xf32, #tpu.memory_space<vmem>>, vector<1x16xf32>,
      %swap3A_28 = vector.shape_cast %swap3A_27 : vector<1x16xf32> to vector<16xf32>
      %swap3A_29 = vector.shape_cast %broadcast_in_dim3A_25 : vector<16xf32> to vector<1x16xf32>
      tpu.vector_store %arg8[%swap3A, %swap3A_26], %swap3A_29 {strides = array<i32>} : memref<640x16xf32, #tpu.memory_space<vmem>>, vector<1x16xf32>,
      %scan3A_30 = arith.constant 0 : i32
      scf.yield %scan3A_30 : i32
    }
    %scan3A_6 = arith.constant 640 : i32
    "tpu.region"() ({
      %run_scoped3A = tpu.sem_alloc : memref<!tpu.dma_semaphore, #tpu.memory_space<semaphore_mem>>
      %dma_start3A_23 = arith.constant 0 : i32
      %dma_start3A_24 = tpu.memref_slice %arg7[%mul3A_0, %dma_start3A_23] : memref<10240x16xf32, #tpu.memory_space<vmem_shared>> -> memref<640x16xf32, #tpu.memory_space<vmem_shared>>
      %dma_start3A_25 = arith.constant 0 : i32
      %dma_start3A_26 = tpu.memref_slice %arg7[%mul3A_0, %dma_start3A_25] : memref<10240x16xf32, #tpu.memory_space<vmem_shared>> -> memref<640x16xf32, #tpu.memory_space<vmem_shared>>
      tpu.enqueue_dma source(%arg8 : memref<640x16xf32, #tpu.memory_space<vmem>>) target(%dma_start3A_26 : memref<640x16xf32, #tpu.memory_space<vmem_shared>>) target_semaphore(%run_scoped3A : memref<!tpu.dma_semaphore, #tpu.memory_space<semaphore_mem>>)
      %dma_wait3A_27 = arith.constant 0 : i32
      %dma_wait3A_28 = tpu.memref_slice %arg7[%mul3A_0, %dma_wait3A_27] : memref<10240x16xf32, #tpu.memory_space<vmem_shared>> -> memref<640x16xf32, #tpu.memory_space<vmem_shared>>
      %dma_wait3A_29 = arith.constant 0 : i32
      %dma_wait3A_30 = tpu.memref_slice %arg7[%mul3A_0, %dma_wait3A_29] : memref<10240x16xf32, #tpu.memory_space<vmem_shared>> -> memref<640x16xf32, #tpu.memory_space<vmem_shared>>
      tpu.wait_dma2 semaphore(%run_scoped3A : memref<!tpu.dma_semaphore, #tpu.memory_space<semaphore_mem>>) src(%arg8 : memref<640x16xf32, #tpu.memory_space<vmem>>) dst(%dma_wait3A_30 : memref<640x16xf32, #tpu.memory_space<vmem_shared>>)
      tpu.yield
    }) : () -> ()
    %mul3A_7 = arith.constant 16 : i32
    %mul3A_8 = arith.muli %arg0, %mul3A_7 : i32
    %add3A = arith.addi %mul3A_8, %arg1 : i32
    %mul3A_9 = arith.constant 5000 : i32
    %mul3A_10 = arith.muli %add3A, %mul3A_9 : i32
    "tpu.region"() ({
      %run_scoped3A = tpu.sem_alloc : memref<!tpu.dma_semaphore, #tpu.memory_space<semaphore_mem>>
      %dma_start3A_23 = tpu.memref_slice %arg3[%mul3A_10] : memref<160000xi32, #tpu.memory_space<hbm>> -> memref<5000xi32, #tpu.memory_space<hbm>>
      %dma_start3A_24 = tpu.memref_slice %arg3[%mul3A_10] : memref<160000xi32, #tpu.memory_space<hbm>> -> memref<5000xi32, #tpu.memory_space<hbm>>
      tpu.enqueue_dma source(%dma_start3A_24 : memref<5000xi32, #tpu.memory_space<hbm>>) target(%arg9 : memref<5000xi32, #tpu.memory_space<vmem>>) target_semaphore(%run_scoped3A : memref<!tpu.dma_semaphore, #tpu.memory_space<semaphore_mem>>)
      %dma_wait3A_25 = tpu.memref_slice %arg3[%mul3A_10] : memref<160000xi32, #tpu.memory_space<hbm>> -> memref<5000xi32, #tpu.memory_space<hbm>>
      %dma_wait3A_26 = tpu.memref_slice %arg3[%mul3A_10] : memref<160000xi32, #tpu.memory_space<hbm>> -> memref<5000xi32, #tpu.memory_space<hbm>>
      tpu.wait_dma2 semaphore(%run_scoped3A : memref<!tpu.dma_semaphore, #tpu.memory_space<semaphore_mem>>) src(%dma_wait3A_26 : memref<5000xi32, #tpu.memory_space<hbm>>) dst(%arg9 : memref<5000xi32, #tpu.memory_space<vmem>>)
      tpu.yield
    }) : () -> ()
    "tpu.region"() ({
      %run_scoped3A = tpu.sem_alloc : memref<!tpu.dma_semaphore, #tpu.memory_space<semaphore_mem>>
      %dma_start3A_23 = tpu.memref_slice %arg4[%mul3A_10] : memref<160000xi32, #tpu.memory_space<hbm>> -> memref<5000xi32, #tpu.memory_space<hbm>>
      %dma_start3A_24 = tpu.memref_slice %arg4[%mul3A_10] : memref<160000xi32, #tpu.memory_space<hbm>> -> memref<5000xi32, #tpu.memory_space<hbm>>
      tpu.enqueue_dma source(%dma_start3A_24 : memref<5000xi32, #tpu.memory_space<hbm>>) target(%arg10 : memref<5000xi32, #tpu.memory_space<vmem>>) target_semaphore(%run_scoped3A : memref<!tpu.dma_semaphore, #tpu.memory_space<semaphore_mem>>)
      %dma_wait3A_25 = tpu.memref_slice %arg4[%mul3A_10] : memref<160000xi32, #tpu.memory_space<hbm>> -> memref<5000xi32, #tpu.memory_space<hbm>>
      %dma_wait3A_26 = tpu.memref_slice %arg4[%mul3A_10] : memref<160000xi32, #tpu.memory_space<hbm>> -> memref<5000xi32, #tpu.memory_space<hbm>>
      tpu.wait_dma2 semaphore(%run_scoped3A : memref<!tpu.dma_semaphore, #tpu.memory_space<semaphore_mem>>) src(%dma_wait3A_26 : memref<5000xi32, #tpu.memory_space<hbm>>) dst(%arg10 : memref<5000xi32, #tpu.memory_space<vmem>>)
      tpu.yield
    }) : () -> ()
    %barrier3A = arith.constant 0 : index
    tpu.barrier barrier_id(%barrier3A)
    %dma_start3A = arith.constant 0 : i32
    %dma_start3A_11 = arith.constant 0 : i32
    %dma_start3A_12 = tpu.memref_slice %arg2[%dma_start3A, %dma_start3A_11] : memref<10240x16xf32, #tpu.memory_space<hbm>> -> memref<10240x16xf32, #tpu.memory_space<hbm>>
    tpu.enqueue_indirect_dma source(%dma_start3A_12 : memref<10240x16xf32, #tpu.memory_space<hbm>>) target(%arg11 : memref<5000x16xf32, #tpu.memory_space<vmem>>) offsets(%arg9 : memref<5000xi32, #tpu.memory_space<vmem>>) semaphore(%arg12 : memref<!tpu.dma_semaphore, #tpu.memory_space<semaphore_mem>>)
    %dma_wait3A = arith.constant 0 : i32
    %dma_wait3A_13 = arith.constant 0 : i32
    %dma_wait3A_14 = tpu.memref_slice %arg2[%dma_wait3A, %dma_wait3A_13] : memref<10240x16xf32, #tpu.memory_space<hbm>> -> memref<10240x16xf32, #tpu.memory_space<hbm>>
    tpu.wait_indirect_dma semaphore(%arg12 : memref<!tpu.dma_semaphore, #tpu.memory_space<semaphore_mem>>) src(%dma_wait3A_14 : memref<10240x16xf32, #tpu.memory_space<hbm>>) dst(%arg11 : memref<5000x16xf32, #tpu.memory_space<vmem>>)
    "tpu.region"() ({
      %run_scoped3A = tpu.sem_alloc : memref<!tpu.dma_semaphore, #tpu.memory_space<semaphore_mem>>
      %dma_start3A_23 = arith.constant 0 : i32
      %dma_start3A_24 = arith.constant 0 : i32
      %dma_start3A_25 = tpu.memref_slice %arg7[%dma_start3A_23, %dma_start3A_24] : memref<10240x16xf32, #tpu.memory_space<vmem_shared>> -> memref<10240x16xf32, #tpu.memory_space<vmem_shared>>
      tpu.enqueue_indirect_dma source(%arg11 : memref<5000x16xf32, #tpu.memory_space<vmem>>) target(%dma_start3A_25 : memref<10240x16xf32, #tpu.memory_space<vmem_shared>>) offsets(%arg10 : memref<5000xi32, #tpu.memory_space<vmem>>) semaphore(%run_scoped3A : memref<!tpu.dma_semaphore, #tpu.memory_space<semaphore_mem>>) {add = true}
      %dma_wait3A_26 = arith.constant 0 : i32
      %dma_wait3A_27 = arith.constant 0 : i32
      %dma_wait3A_28 = tpu.memref_slice %arg7[%dma_wait3A_26, %dma_wait3A_27] : memref<10240x16xf32, #tpu.memory_space<vmem_shared>> -> memref<10240x16xf32, #tpu.memory_space<vmem_shared>>
      tpu.wait_indirect_dma semaphore(%run_scoped3A : memref<!tpu.dma_semaphore, #tpu.memory_space<semaphore_mem>>) src(%arg11 : memref<5000x16xf32, #tpu.memory_space<vmem>>) dst(%dma_wait3A_28 : memref<10240x16xf32, #tpu.memory_space<vmem_shared>>)
      tpu.yield
    }) : () -> ()
    %barrier3A_15 = arith.constant 0 : index
    tpu.barrier barrier_id(%barrier3A_15)
    %eq3A = arith.constant 0 : i32
    %eq3A_16 = arith.cmpi eq, %arg0, %eq3A : i32
    %convert_element_type3A = arith.extui %eq3A_16 : i1 to i32
    %cond3A = arith.constant 0 : i32
    %cond3A_17 = arith.cmpi ne, %convert_element_type3A, %cond3A : i32
    scf.if %cond3A_17 {
      "tpu.region"() ({
        %run_scoped3A = tpu.sem_alloc : memref<!tpu.dma_semaphore, #tpu.memory_space<semaphore_mem>>
        %dma_start3A_23 = arith.constant 0 : i32
        %dma_start3A_24 = tpu.memref_slice %arg5[%mul3A_0, %dma_start3A_23] : memref<10240x16xf32, #tpu.memory_space<hbm>> -> memref<640x16xf32, #tpu.memory_space<hbm>>
        %dma_start3A_25 = arith.constant 0 : i32
        %dma_start3A_26 = tpu.memref_slice %arg7[%mul3A_0, %dma_start3A_25] : memref<10240x16xf32, #tpu.memory_space<vmem_shared>> -> memref<640x16xf32, #tpu.memory_space<vmem_shared>>
        tpu.enqueue_dma source(%dma_start3A_26 : memref<640x16xf32, #tpu.memory_space<vmem_shared>>) target(%dma_start3A_24 : memref<640x16xf32, #tpu.memory_space<hbm>>) target_semaphore(%run_scoped3A : memref<!tpu.dma_semaphore, #tpu.memory_space<semaphore_mem>>)
        %dma_wait3A_27 = arith.constant 0 : i32
        %dma_wait3A_28 = tpu.memref_slice %arg5[%mul3A_0, %dma_wait3A_27] : memref<10240x16xf32, #tpu.memory_space<hbm>> -> memref<640x16xf32, #tpu.memory_space<hbm>>
        %dma_wait3A_29 = arith.constant 0 : i32
        %dma_wait3A_30 = tpu.memref_slice %arg7[%mul3A_0, %dma_wait3A_29] : memref<10240x16xf32, #tpu.memory_space<vmem_shared>> -> memref<640x16xf32, #tpu.memory_space<vmem_shared>>
        tpu.wait_dma2 semaphore(%run_scoped3A : memref<!tpu.dma_semaphore, #tpu.memory_space<semaphore_mem>>) src(%dma_wait3A_30 : memref<640x16xf32, #tpu.memory_space<vmem_shared>>) dst(%dma_wait3A_28 : memref<640x16xf32, #tpu.memory_space<hbm>>)
        tpu.yield
      }) : () -> ()
    } else {
    }
    %eq3A_18 = arith.constant 1 : i32
    %eq3A_19 = arith.cmpi eq, %arg0, %eq3A_18 : i32
    %convert_element_type3A_20 = arith.extui %eq3A_19 : i1 to i32
    %cond3A_21 = arith.constant 0 : i32
    %cond3A_22 = arith.cmpi ne, %convert_element_type3A_20, %cond3A_21 : i32
    scf.if %cond3A_22 {
      "tpu.region"() ({
        %run_scoped3A = tpu.sem_alloc : memref<!tpu.dma_semaphore, #tpu.memory_space<semaphore_mem>>
        %dma_start3A_23 = arith.constant 0 : i32
        %dma_start3A_24 = tpu.memref_slice %arg6[%mul3A_0, %dma_start3A_23] : memref<10240x16xf32, #tpu.memory_space<hbm>> -> memref<640x16xf32, #tpu.memory_space<hbm>>
        %dma_start3A_25 = arith.constant 0 : i32
        %dma_start3A_26 = tpu.memref_slice %arg7[%mul3A_0, %dma_start3A_25] : memref<10240x16xf32, #tpu.memory_space<vmem_shared>> -> memref<640x16xf32, #tpu.memory_space<vmem_shared>>
        tpu.enqueue_dma source(%dma_start3A_26 : memref<640x16xf32, #tpu.memory_space<vmem_shared>>) target(%dma_start3A_24 : memref<640x16xf32, #tpu.memory_space<hbm>>) target_semaphore(%run_scoped3A : memref<!tpu.dma_semaphore, #tpu.memory_space<semaphore_mem>>)
        %dma_wait3A_27 = arith.constant 0 : i32
        %dma_wait3A_28 = tpu.memref_slice %arg6[%mul3A_0, %dma_wait3A_27] : memref<10240x16xf32, #tpu.memory_space<hbm>> -> memref<640x16xf32, #tpu.memory_space<hbm>>
        %dma_wait3A_29 = arith.constant 0 : i32
        %dma_wait3A_30 = tpu.memref_slice %arg7[%mul3A_0, %dma_wait3A_29] : memref<10240x16xf32, #tpu.memory_space<vmem_shared>> -> memref<640x16xf32, #tpu.memory_space<vmem_shared>>
        tpu.wait_dma2 semaphore(%run_scoped3A : memref<!tpu.dma_semaphore, #tpu.memory_space<semaphore_mem>>) src(%dma_wait3A_30 : memref<640x16xf32, #tpu.memory_space<vmem_shared>>) dst(%dma_wait3A_28 : memref<640x16xf32, #tpu.memory_space<hbm>>)
        tpu.yield
      }) : () -> ()
    } else {
    }
    return
  }
}

module attributes {stable_mosaic.version = 14 : i64} {
  func.func @_tc1_body(%arg0: i32, %arg1: memref<1024x256xf32, #tpu.memory_space<vmem>>, %arg2: memref<256x16xf32, #tpu.memory_space<vmem>>, %arg3: memref<1024x1xf32, #tpu.memory_space<vmem>>, %arg4: memref<1024x16xf32, #tpu.memory_space<vmem>>, %arg5: memref<1024x1xf32, #tpu.memory_space<vmem>>) attributes {dimension_semantics = [#tpu.dimension_semantics<arbitrary>], iteration_bounds = array<i64: 10>, scalar_prefetch = 0 : i64, scratch_operands = 0 : i64, tpu.core_type = #tpu.core_type<tc>, window_params = [{transform_indices = @transform_0, window_bounds = array<i64: 1024, 256>}, {pipeline_mode = #tpu.pipeline_mode<synchronous>, transform_indices = @transform_1, window_bounds = array<i64: 256, 16>}, {transform_indices = @transform_2, window_bounds = array<i64: 1024, 1>}, {transform_indices = @transform_3, window_bounds = array<i64: 1024, 16>}, {transform_indices = @transform_4, window_bounds = array<i64: 1024, 1>}]} {
    %get3A = arith.constant 0 : index
    %get3A_0 = arith.constant 0 : index
    %get3A_1 = vector.load %arg1[%get3A, %get3A_0] : memref<1024x256xf32, #tpu.memory_space<vmem>>, vector<1024x256xf32>
    %get3A_2 = arith.constant 0 : index
    %get3A_3 = arith.constant 0 : index
    %get3A_4 = vector.load %arg2[%get3A_2, %get3A_3] : memref<256x16xf32, #tpu.memory_space<vmem>>, vector<256x16xf32>
    %dot_general3A = arith.constant dense<0.000000e+00> : vector<1024x16xf32>
    %dot_general3A_5 = tpu.matmul %get3A_1, %get3A_4, %dot_general3A {dimension_numbers = #tpu.dot_dimension_numbers<[1], [0], [0], [1], [0, 0, 1, 1], [], []>, transpose_lhs_hint = false} : vector<1024x256xf32>, vector<256x16xf32>, vector<1024x16xf32> -> vector<1024x16xf32>
    %get3A_6 = arith.constant 0 : index
    %get3A_7 = arith.constant 0 : index
    %get3A_8 = vector.load %arg3[%get3A_6, %get3A_7] : memref<1024x1xf32, #tpu.memory_space<vmem>>, vector<1024x1xf32>
    %add3A = arith.constant 1.000000e+00 : f32
    %add3A_9 = vector.broadcast %add3A : f32 to vector<1024x1xf32>
    %add3A_10 = arith.addf %get3A_8, %add3A_9 : vector<1024x1xf32>
    %rsqrt3A = math.rsqrt %add3A_10 : vector<1024x1xf32>
    %swap3A = arith.constant 0 : index
    %swap3A_11 = arith.constant 0 : index
    %swap3A_12 = vector.load %arg5[%swap3A, %swap3A_11] : memref<1024x1xf32, #tpu.memory_space<vmem>>, vector<1024x1xf32>
    tpu.vector_store %arg5[%swap3A, %swap3A_11], %rsqrt3A {strides = array<i32>} : memref<1024x1xf32, #tpu.memory_space<vmem>>, vector<1024x1xf32>,
    %mul3A = vector.broadcast %rsqrt3A : vector<1024x1xf32> to vector<1024x16xf32>
    %mul3A_13 = arith.mulf %dot_general3A_5, %mul3A : vector<1024x16xf32>
    %swap3A_14 = arith.constant 0 : index
    %swap3A_15 = arith.constant 0 : index
    %swap3A_16 = vector.load %arg4[%swap3A_14, %swap3A_15] : memref<1024x16xf32, #tpu.memory_space<vmem>>, vector<1024x16xf32>
    tpu.vector_store %arg4[%swap3A_14, %swap3A_15], %mul3A_13 {strides = array<i32>} : memref<1024x16xf32, #tpu.memory_space<vmem>>, vector<1024x16xf32>,
    return
  }
  func.func @transform_0(%arg0: i32) -> (i32, i32) {
    %c0_i32 = arith.constant 0 : i32
    %c0_i32_0 = arith.constant 0 : i32
    return %arg0, %c0_i32 : i32, i32
  }
  func.func @transform_1(%arg0: i32) -> (i32, i32) {
    %c0_i32 = arith.constant 0 : i32
    %c0_i32_0 = arith.constant 0 : i32
    %c0_i32_1 = arith.constant 0 : i32
    return %c0_i32, %c0_i32_0 : i32, i32
  }
  func.func @transform_2(%arg0: i32) -> (i32, i32) {
    %c0_i32 = arith.constant 0 : i32
    %c0_i32_0 = arith.constant 0 : i32
    return %arg0, %c0_i32 : i32, i32
  }
  func.func @transform_3(%arg0: i32) -> (i32, i32) {
    %c0_i32 = arith.constant 0 : i32
    %c0_i32_0 = arith.constant 0 : i32
    return %arg0, %c0_i32 : i32, i32
  }
  func.func @transform_4(%arg0: i32) -> (i32, i32) {
    %c0_i32 = arith.constant 0 : i32
    %c0_i32_0 = arith.constant 0 : i32
    return %arg0, %c0_i32 : i32, i32
  }
}

module attributes {stable_mosaic.version = 14 : i64} {
  func.func @_tc2_body(%arg0: i32, %arg1: memref<2048x16xf32, #tpu.memory_space<vmem>>, %arg2: memref<2048x16xf32, #tpu.memory_space<vmem>>, %arg3: memref<2048x16xf32, #tpu.memory_space<vmem>>, %arg4: memref<2048x1xf32, #tpu.memory_space<vmem>>, %arg5: memref<1x16xf32, #tpu.memory_space<vmem>>, %arg6: memref<16x1xf32, #tpu.memory_space<vmem>>, %arg7: memref<2048x1xf32, #tpu.memory_space<vmem>>) attributes {dimension_semantics = [#tpu.dimension_semantics<arbitrary>], iteration_bounds = array<i64: 5>, scalar_prefetch = 0 : i64, scratch_operands = 0 : i64, tpu.core_type = #tpu.core_type<tc>, window_params = [{transform_indices = @transform_0, window_bounds = array<i64: 2048, 16>}, {transform_indices = @transform_1, window_bounds = array<i64: 2048, 16>}, {transform_indices = @transform_2, window_bounds = array<i64: 2048, 16>}, {transform_indices = @transform_3, window_bounds = array<i64: 2048, 1>}, {pipeline_mode = #tpu.pipeline_mode<synchronous>, transform_indices = @transform_4, window_bounds = array<i64: 1, 16>}, {pipeline_mode = #tpu.pipeline_mode<synchronous>, transform_indices = @transform_5, window_bounds = array<i64: 16, 1>}, {transform_indices = @transform_6, window_bounds = array<i64: 2048, 1>}]} {
    %get3A = arith.constant 0 : index
    %get3A_0 = arith.constant 0 : index
    %get3A_1 = vector.load %arg4[%get3A, %get3A_0] : memref<2048x1xf32, #tpu.memory_space<vmem>>, vector<2048x1xf32>
    %get3A_2 = arith.constant 0 : index
    %get3A_3 = arith.constant 0 : index
    %get3A_4 = vector.load %arg1[%get3A_2, %get3A_3] : memref<2048x16xf32, #tpu.memory_space<vmem>>, vector<2048x16xf32>
    %get3A_5 = arith.constant 0 : index
    %get3A_6 = arith.constant 0 : index
    %get3A_7 = vector.load %arg2[%get3A_5, %get3A_6] : memref<2048x16xf32, #tpu.memory_space<vmem>>, vector<2048x16xf32>
    %add3A = arith.addf %get3A_4, %get3A_7 : vector<2048x16xf32>
    %get3A_8 = arith.constant 0 : index
    %get3A_9 = arith.constant 0 : index
    %get3A_10 = vector.load %arg3[%get3A_8, %get3A_9] : memref<2048x16xf32, #tpu.memory_space<vmem>>, vector<2048x16xf32>
    %add3A_11 = arith.addf %add3A, %get3A_10 : vector<2048x16xf32>
    %mul3A = vector.broadcast %get3A_1 : vector<2048x1xf32> to vector<2048x16xf32>
    %mul3A_12 = arith.mulf %add3A_11, %mul3A : vector<2048x16xf32>
    %get3A_13 = arith.constant 0 : index
    %get3A_14 = arith.constant 0 : index
    %get3A_15 = vector.load %arg5[%get3A_13, %get3A_14] : memref<1x16xf32, #tpu.memory_space<vmem>>, vector<1x16xf32>
    %add3A_16 = vector.broadcast %get3A_15 : vector<1x16xf32> to vector<2048x16xf32>
    %add3A_17 = arith.addf %mul3A_12, %add3A_16 : vector<2048x16xf32>
    %max3A = arith.constant 0.000000e+00 : f32
    %max3A_18 = vector.broadcast %max3A : f32 to vector<2048x16xf32>
    %max3A_19 = arith.maximumf %add3A_17, %max3A_18 : vector<2048x16xf32>
    %get3A_20 = arith.constant 0 : index
    %get3A_21 = arith.constant 0 : index
    %get3A_22 = vector.load %arg6[%get3A_20, %get3A_21] : memref<16x1xf32, #tpu.memory_space<vmem>>, vector<16x1xf32>
    %dot_general3A = arith.constant dense<0.000000e+00> : vector<2048x1xf32>
    %dot_general3A_23 = tpu.matmul %max3A_19, %get3A_22, %dot_general3A {dimension_numbers = #tpu.dot_dimension_numbers<[1], [0], [0], [1], [0, 0, 1, 1], [], []>, transpose_lhs_hint = false} : vector<2048x16xf32>, vector<16x1xf32>, vector<2048x1xf32> -> vector<2048x1xf32>
    %mul3A_24 = arith.mulf %dot_general3A_23, %get3A_1 : vector<2048x1xf32>
    %swap3A = arith.constant 0 : index
    %swap3A_25 = arith.constant 0 : index
    %swap3A_26 = vector.load %arg7[%swap3A, %swap3A_25] : memref<2048x1xf32, #tpu.memory_space<vmem>>, vector<2048x1xf32>
    tpu.vector_store %arg7[%swap3A, %swap3A_25], %mul3A_24 {strides = array<i32>} : memref<2048x1xf32, #tpu.memory_space<vmem>>, vector<2048x1xf32>,
    return
  }
  func.func @transform_0(%arg0: i32) -> (i32, i32) {
    %c0_i32 = arith.constant 0 : i32
    %c0_i32_0 = arith.constant 0 : i32
    return %arg0, %c0_i32 : i32, i32
  }
  func.func @transform_1(%arg0: i32) -> (i32, i32) {
    %c0_i32 = arith.constant 0 : i32
    %c0_i32_0 = arith.constant 0 : i32
    return %arg0, %c0_i32 : i32, i32
  }
  func.func @transform_2(%arg0: i32) -> (i32, i32) {
    %c0_i32 = arith.constant 0 : i32
    %c0_i32_0 = arith.constant 0 : i32
    return %arg0, %c0_i32 : i32, i32
  }
  func.func @transform_3(%arg0: i32) -> (i32, i32) {
    %c0_i32 = arith.constant 0 : i32
    %c0_i32_0 = arith.constant 0 : i32
    return %arg0, %c0_i32 : i32, i32
  }
  func.func @transform_4(%arg0: i32) -> (i32, i32) {
    %c0_i32 = arith.constant 0 : i32
    %c0_i32_0 = arith.constant 0 : i32
    %c0_i32_1 = arith.constant 0 : i32
    return %c0_i32, %c0_i32_0 : i32, i32
  }
  func.func @transform_5(%arg0: i32) -> (i32, i32) {
    %c0_i32 = arith.constant 0 : i32
    %c0_i32_0 = arith.constant 0 : i32
    %c0_i32_1 = arith.constant 0 : i32
    return %c0_i32, %c0_i32_0 : i32, i32
  }
  func.func @transform_6(%arg0: i32) -> (i32, i32) {
    %c0_i32 = arith.constant 0 : i32
    %c0_i32_0 = arith.constant 0 : i32
    return %arg0, %c0_i32 : i32, i32
  }
}

</mosaic_0001>

<sc_bundles>
// kernel: kernel.10.cloned.1.call-start
scs
__scs_entry_jumppad:
0x0: {  	(pc) =	sbr.rel $0x88, $3  }
0x1: {  	(tag) =	ssettag $0x0;
	lr =	simm.s32 $0x1  }
0x2: {  	[smem:$0x3F9B] =	sst lr;
	_ =	strace $0xD0000000  }
0x3: {  	_ = 	snop  }
0x4: {  	_ = 	snop  }
0x5: {  	_ = 	snop  }
0x6: {  	_ = 	snop  }
0x7: {  	_ = 	snop  }
__scs_overlays_trampoline_lowered:
0x8: {  	[smem:$0x3FAA] =	sst s0  }
0x9: {  	[smem:$0x3FAB] =	sst s1  }
0xa: {  	[smem:$0x3FAC] =	sst s2  }
0xb: {  	[smem:$0x3FAD] =	sst s3  }
0xc: {  	[smem:$0x3FAE] =	sst s4  }
0xd: {  	[smem:$0x3FAF] =	sst s5  }
0xe: {  	[smem:$0x3FB0] =	sst s6  }
0xf: {  	[smem:$0x3FB1] =	sst s7  }
0x10: {  	[smem:$0x3FB2] =	sst s8  }
0x11: {  	[smem:$0x3FB3] =	sst s9;
	s0 =	simm.s32 @!p0 $0x0  }
0x12: {  	s1 =	sld [smem:$0x3F99];
	s0 =	simm.s32 @p0 $0x1  }
0x13: {  	[smem:$0x3FB4] =	sst s0;
	s0 =	simm.s32 @!p1 $0x0  }
0x14: {  	s2 =	sld [smem:$0x3F98];
	s0 =	simm.s32 @p1 $0x1  }
0x15: {  	[smem:$0x3FB5] =	sst s0;
	s0 =	simm.s32 @!p2 $0x0  }
0x16: {  	s3 =	sld [smem:$0x3FDB];
	s0 =	simm.s32 @p2 $0x1  }
0x17: {  	s4 =	simm.s32 $0x1BF5;
	[smem:$0x3FB7] =	sst s0  }
0x18: {  	s0 =	sld [smem:$0x3F9A];
	_ =	swait.ge [sflag:s4], $0x0  }
0x19: {  	s7 =	sld [smem:$0x3F9B]  }
0x1a: {  	s8 =	sadd.s32 $0xFFFFE003, lr  }
0x1b: {  	s9 =	sadd.s32 $0xFFFFFEF7, lr;
	s5 =	simm.s32 $0xFFFFFFFF;
	p2 =	slt.u32 s8, $0xFFFFF086  }
0x1c: {  	p1 =	slt.u32 s9, $0xF7A;
	s5 =	simm.s32 @!p2 $0x0  }
0x1d: {  	s5 =	simm.s32 @p1 $0x1;
	p0 =	seq.s32 s7, s2  }
0x1e: {  	s7 =	smul.u32 @!p0 $0xF7A, s2;
	p2 =	seq.s32 @!p0 s5, $0x0  }
0x1f: {  	s9 =	smul.u32 $0xF7A, s1;
	s8 =	simm.s32 @!p0 $0x1BF5;
	p2 =	por !p2, p0  }
0x20: {  	[sflag:s8] =	ssyncset.s32 @!p0 $0xFFFFF086;
	s6 =	sadd.s32 @!p0 s3, s7;
	s7 =	simm.s32 @!p0 $0x108  }
0x21: {  	s3 =	sadd.s32 s3, s9;
	s6 =	sadd.s32 @!p0 $0x88, s6;
	s7 =	simm.s32 @p2 $0x1082  }
0x22: {  	[simem:s7], [sflag:s8] =	dma.local @!p0 [hbm:s6], $0xF7A  }
0x23: {  	s9 =	sor.u32 $0xD0000000, s2;
	s6 =	simm.s32 $0x108;
	_ =	swait.ge @!p0 [sflag:s8], $0x0  }
0x24: {  	s3 =	sadd.s32 $0x88, s3;
	s6 =	simm.s32 @!p1 $0x1082;
	[sflag:s4] =	ssyncset.s32 $0xFFFFF086  }
0x25: {  	[simem:s6], [sflag:s4] =	dma.local [hbm:s3], $0xF7A  }
0x26: {  	[smem:$0x3F9B] =	sst s1;
	(tag) =	ssettag s2;
	_ =	strace s9  }
0x27: {  	s1 =	sld [smem:$0x3FAB]  }
0x28: {  	s2 =	sld [smem:$0x3FAC]  }
0x29: {  	s4 =	sld [smem:$0x3FAE]  }
0x2a: {  	p0 =	seq.s32 s5, $0x0;
	s5 =	sld [smem:$0x3FAF]  }
0x2b: {  	s6 =	sld [smem:$0x3FB0]  }
0x2c: {  	s7 =	sld [smem:$0x3FB1]  }
0x2d: {  	s3 =	simm.s32 $0x108;
	s8 =	sld [smem:$0x3FB2]  }
0x2e: {  	s3 =	simm.s32 @!p0 $0x1082;
	s9 =	sld [smem:$0x3FB3]  }
0x2f: {  	lr =	sadd.s32 s0, s3;
	s0 =	sld [smem:$0x3FAA]  }
0x30: {  	s3 =	sld [smem:$0x3FAD]  }
0x31: {  	[smem:$0x3FB6] =	sst s10  }
0x32: {  	s10 =	sld [smem:$0x3FB4];
	_ =	sdelay $0x3  }
0x33: {  	p0 =	seq.s32 s10, $0x1;
	s10 =	sld [smem:$0x3FB6];
	_ =	sdelay $0x3  }
0x34: {  	[smem:$0x3FB6] =	sst s10  }
0x35: {  	s10 =	sld [smem:$0x3FB5];
	_ =	sdelay $0x3  }
0x36: {  	p1 =	seq.s32 s10, $0x1;
	s10 =	sld [smem:$0x3FB6];
	_ =	sdelay $0x3  }
0x37: {  	[smem:$0x3FB6] =	sst s10  }
0x38: {  	s10 =	sld [smem:$0x3FB7]  }
0x39: {  	_ = 	snop;
	(pc) =	sbr.ind lr, $3  }
0x3a: {  	_ = 	snop  }
0x3b: {  	_ = 	snop  }
0x3c: {  	p2 =	seq.s32 s10, $0x1;
	s10 =	sld [smem:$0x3FB6]  }
0x3d: {  	_ =	shalt  }
0x3e: {  	_ =	shalt  }
0x3f: {  	_ =	shalt  }
0x40: {  	_ =	shalt  }
0x41: {  	_ =	shalt  }
0x42: {  	_ =	shalt  }
0x43: {  	_ =	shalt  }
0x44: {  	_ =	shalt  }
0x45: {  	_ =	shalt  }
0x46: {  	_ =	shalt  }
0x47: {  	_ =	shalt  }
0x48: {  	_ =	shalt  }
0x49: {  	_ =	shalt  }
0x4a: {  	_ =	shalt  }
0x4b: {  	_ =	shalt  }
0x4c: {  	_ =	shalt  }
0x4d: {  	_ =	shalt  }
0x4e: {  	_ =	shalt  }
0x4f: {  	_ =	shalt  }
0x50: {  	_ =	shalt  }
0x51: {  	_ =	shalt  }
0x52: {  	_ =	shalt  }
0x53: {  	_ =	shalt  }
0x54: {  	_ =	shalt  }
0x55: {  	_ =	shalt  }
0x56: {  	_ =	shalt  }
0x57: {  	_ =	shalt  }
0x58: {  	_ =	shalt  }
0x59: {  	_ =	shalt  }
0x5a: {  	_ =	shalt  }
0x5b: {  	_ =	shalt  }
0x5c: {  	_ =	shalt  }
0x5d: {  	_ =	shalt  }
0x5e: {  	_ =	shalt  }
0x5f: {  	_ =	shalt  }
0x60: {  	_ =	shalt  }
0x61: {  	_ =	shalt  }
0x62: {  	_ =	shalt  }
0x63: {  	_ =	shalt  }
0x64: {  	_ =	shalt  }
0x65: {  	_ =	shalt  }
0x66: {  	_ =	shalt  }
0x67: {  	_ =	shalt  }
0x68: {  	_ =	shalt  }
0x69: {  	_ =	shalt  }
0x6a: {  	_ =	shalt  }
0x6b: {  	_ =	shalt  }
0x6c: {  	_ =	shalt  }
0x6d: {  	_ =	shalt  }
0x6e: {  	_ =	shalt  }
0x6f: {  	_ =	shalt  }
0x70: {  	_ =	shalt  }
0x71: {  	_ =	shalt  }
0x72: {  	_ =	shalt  }
0x73: {  	_ =	shalt  }
0x74: {  	_ =	shalt  }
0x75: {  	_ =	shalt  }
0x76: {  	_ =	shalt  }
0x77: {  	_ =	shalt  }
0x78: {  	_ =	shalt  }
0x79: {  	_ =	shalt  }
0x7a: {  	_ =	shalt  }
0x7b: {  	_ =	shalt  }
0x7c: {  	_ =	shalt  }
0x7d: {  	_ =	shalt  }
0x7e: {  	_ =	shalt  }
0x7f: {  	_ =	shalt  }
0x80: {  	_ =	shalt  }
0x81: {  	_ =	shalt  }
0x82: {  	_ =	shalt  }
0x83: {  	_ =	shalt  }
0x84: {  	_ =	shalt  }
0x85: {  	_ =	shalt  }
0x86: {  	_ =	shalt  }
0x87: {  	_ =	shalt  }
.Lfunc_end0:
.L_simem_size_0:
called_computation.1_lowered:
.L_overlay_start_0:
0x88: {  	s2 =	sld [smem:$0x3FD9]  }
0x89: {  	s3 =	sld [smem:$0x3FFE];
	_ =	sdelay $0x1  }
0x8a: {  	s1 =	srdreg.scid  }
0x8b: {  	s0 =	sand.u32 $0x1, s1  }
0x8c: {  	s16 =	sshll.u32 s0, $0xA;
	s2 =	sadd.s32 s3, s2  }
0x8d: {  	s2 =	sadd.s32 s2, s16  }
0x8e: {  	[smem:$0x3FC2] =	sst s2  }
0x8f: {  	_ = 	snop  }
0x90: {  	(tm) =	ssettm $0x1  }
0x91: {  	s17 =	sld [smem:$0x3FFB];
	_ =	sdelay $0x3  }
0x92: {  	_ =	strace s17  }
0x93: {  	s2 =	sld [smem:$0x3FFC];
	_ =	sdelay $0x3  }
0x94: {  	_ =	strace s2  }
0x95: {  	s2 =	sld [smem:$0x3FFD];
	_ =	sdelay $0x3  }
0x96: {  	_ =	strace s2  }
0x97: {  	_ =	strace $0x8FFFFFFF  }
0x98: {  	s18 =	sld [smem:$0x3FDB];
	_ =	sdelay $0x1  }
0x99: {  	s19 =	simm.s32 $_scs_section_size  }
0x9a: {  	s4 =	simm.s32 $_size__tile_overlayer_lowered;
	s5 =	simm.s32 $_tile_overlayer_lowered  }
0x9b: {  	s22 =	simm.s32 $0x1BFF;
	s21 =	sshll.u32 s5, $0x1;
	s2 =	sadd.s32 s19, s18  }
0x9c: {  	s6 =	simm.s32 $0x0;
	s20 =	sshll.u32 s4, $0x1;
	s4 =	sadd.s32 s21, s2  }
0x9d: {  	[timem:s6], [sflag:s22] =	dma.local [hbm:s4], s20  }
0x9e: {  	_ =	swait.ge [sflag:s22], s20  }
0x9f: {  	s3 =	ssub.s32 $0x0, s20;
	[sflag:s22] =	ssyncset.done $0x0  }
0xa0: {  	[sflag:s22] =	ssyncadd.s32 s3;
	_ =	sdelay $0x1  }
0xa1: {  	s23 =	simm.s32 $0x1B8B  }
0xa2: {  	_ =	swait.ge [sflag:s23], $0x1  }
0xa3: {  	[sflag:s23] =	ssyncset.done $0x0  }
0xa4: {  	s25 =	simm.s32 $0x1B8E;
	s24 =	sld [smem:$0x3FFE];
	[sflag:s23] =	ssyncadd.s32 $0xFFFFFFFF  }
0xa5: {  	s26 =	simm.s32 $execute0_lowered;
	[smem:$0x3FD2] =	sst s25  }
0xa6: {  	s4 =	sshll.u32 s26, $0x1;
	_ =	strace $0x80000049;
	[dreg:$0x1] =	wrdreg $0xFFFFFFFF  }
0xa7: {  	s28 =	simm.s32 $_size_execute0_lowered;
	s2 =	sadd.s32 s2, s4;
	[dreg:$0x0] =	wrdreg $0x0  }
0xa8: {  	s4 =	sshll.u32 s28, $0x1;
	[dreg:$0x2] =	wrdreg s2  }
0xa9: {  	[dreg:$0x3] =	wrdreg s4  }
0xaa: {  	[dreg:$0x4] =	wrdreg $0xC0  }
0xab: {  	_ =	task [dreg:s6], $0x5FFFF  }
0xac: {  	[dreg:$0x1] =	wrdreg $0xFFFFFFFF  }
0xad: {  	[dreg:$0x0] =	wrdreg $0x60  }
0xae: {  	[dreg:$0x2] =	wrdreg s24  }
0xaf: {  	[dreg:$0x3] =	wrdreg $0x0  }
0xb0: {  	[dreg:$0x4] =	wrdreg $0x9  }
0xb1: {  	_ =	task.clear_ibuf [dreg:s6], $0x5FFFF;
	_ =	strace $0x90000049  }
0xb2: {  	s29 =	simm.s32 $0x9;
	_ =	strace $0x8000004B  }
0xb3: {  	_ =	swait.ge [sflag:s29], $0x1  }
0xb4: {  	[sflag:s29] =	ssyncadd.s32 $0xFFFFFFFF  }
0xb5: {  	_ =	strace $0x9000004B  }
0xb6: {  	_ =	sfence  }
0xb7: {  	s30 =	sld [smem:$0x0];
	_ =	sdelay $0x2  }
0xb8: {  	s31 =	sshll.u32 s1, $0xD;
	s1 =	sshrl.u32 s1, $0x2  }
0xb9: {  	s3 =	sand.u32 $0x4000, s31;
	s1 =	sadd.s32 s1, s30  }
0xba: {  	s0 =	sor.u32 s3, s0;
	s1 =	sshll.u32 s1, $0x11  }
0xbb: {  	s0 =	sor.u32 s1, s0  }
0xbc: {  	s0 =	sadd.s32 $0x8F2B, s0  }
0xbd: {  	[sflag:s0] =	ssyncadd.remote.s32 $0x1  }
0xbe: {  	_ =	sfence.sel $0xFFFF  }
0xbf: {  	[dreg:$0x0] =	wrdreg $0xFFFFFFFF;
	(pc) =	sbr.abs _section_cstart, $3  }
0xc0: {  	[dreg:$0x1] =	wrdreg $0xFFFFFFFF  }
0xc1: {  	_ =	task.clear_ibuf [dreg:s6], $0x2FFFF;
	_ =	strace $0x9FFFFFFF  }
0xc2: {  	(tm) =	ssettm $0x7FFFFFFF  }
0xc3: {  	_ =	shalt  }
tec
execute0_lowered:
.L_overlay_start_1:
0x0: {  	(tag) =	ssettag $0x1  }
0x1: {  	s9 =	rddreg [dreg:$0x0]  }
0x2: {  	s0 =	srdreg.scid;
	s2 =	rddreg [dreg:$0x1]  }
0x3: {  	s1 =	stileid.u32;
	s3 =	simm.s32 $0x0;
	s12 =	simm.s32 $0x37600  }
0x4: {  	s13 =	simm.s32 $0x6388;
	s14 =	simm.s32 $0x1388;
	s15 =	simm.s32 $0x7710  }
0x5: {  	s16 =	simm.s32 $0x1;
	s6 =	sand.u32 $0x1, s0;
	s0 =	rddreg [dreg:$0x2]  }
0x6: {  	s19 =	simm.s32 $0x0;
	[smem:$0x7FF] =	sst s3;
	s10 =	smul.u32 $0x2800, s1  }
0x7: {  	s17 =	sshll.u32 s1, $0x6;
	s4 =	sshll.u32 s6, $0x4;
	s7 =	ssub.s32 $0x2, s6  }
0x8: {  	_ =	strace $0x8000004A;
	p0 =	seq.s32 s6, $0x1;
	s4 =	sor.u32 s1, s4  }
0x9: {  	s17 =	sor.u32 $0x1C02, s17;
	s8 =	sshrl.u32 s7, $0x1;
	s5 =	smul.u32 $0x271, s4  }
0xa: {  	s12 =	simm.s32 @!p0 $0x3C600;
	s4 =	sadd.s32 $0x32600, s9;
	s8 =	ssub.s32 s7, s8  }
0xb: {  	s8 =	smax.u32 s8, $0x1;
	s11 =	sadd.s32 s5, s9;
	s5 =	sadd.s32 s10, s2  }
0xc: {  	s10 =	sshrl.u32 s10, $0x3;
	s9 =	sadd.s32 s12, s9;
	s12 =	simm.s32 $0x5000  }
0xd: {  	s6 =	sadd.s32 $0x600, s11;
	s7 =	sadd.s32 $0x5600, s11;
	s9 =	sadd.s32 s9, s10  }
0xe: {  	v0 =	vimm.f32 $0.0e+00;
	s10 =	simm.s32 $0x2800;
	s11 =	simm.s32 $0x2;
	s18 =	sshrl.u32 s5, $0x3  }
.LBB2_1:
0xf: {  	s20 =	simm.s32 $0x40;
	s21 =	simm.s32 $0x0  }
.LBB2_2:
0x10: {  	p0 =	sne.s32 s20, $0x9FC0;
	[tilespmem:s21+$0x2800] =	vst v0;
	s21 =	smov.u32 s20;
	s20 =	sadd.s32 $0x40, s20  }
.Ltmp0:
0x11: {  	(pc) =	sbr.rel @p0 .LBB2_2-.Ltmp0, $2  }
0x12: {  	_ =	sdelay $0x2  }
0x13: {  	s21 =	sshra.s32 s21, $0x2  }
0x14: {  	[tilespmem:s21+$0x2800] =	vst v0  }
0x15: {  	[spmem:s5] =	stream.linear.scatter [tilespmem:s10], [sflag:$0x2], $0x2800, $0x38;
	[tilespmem:$0x1AF90] =	vst v63  }
0x16: {  	_ =	swait.ge [sflag:s11], $0x2800  }
0x17: {  	[sflag:s11] =	ssyncset.done $0x0  }
0x18: {  	[sflag:s11] =	ssyncadd.s32 $0xFFFFD800  }
0x19: {  	[tilespmem:s12], [sflag:$0x2] =	stream.linear.gather [hbm4b:s6+s3], $0x1388, $0x38;
	[tilespmem:$0x1AF90] =	vst v63  }
0x1a: {  	_ =	swait.ge [sflag:s11], $0x1388  }
0x1b: {  	[sflag:s11] =	ssyncset.done $0x0  }
0x1c: {  	[sflag:s11] =	ssyncadd.s32 $0xFFFFEC78  }
0x1d: {  	[tilespmem:s13], [sflag:$0x2] =	stream.linear.gather [hbm4b:s7+s3], $0x1388, $0x38;
	[tilespmem:$0x1AF90] =	vst v63  }
0x1e: {  	_ =	swait.ge [sflag:s11], $0x1388  }
0x1f: {  	[sflag:s11] =	ssyncset.done $0x0  }
0x20: {  	[sflag:s11] =	ssyncadd.s32 $0xFFFFEC78  }
0x21: {  	[bflag:$0x0] =	sbarrier.arrive $0xFFFF  }
0x22: {  	[tilespmem:s15], [sflag:$0x1] =	stream.indirect.gather [hbm4b:s4+s14], $0x10, s12, s14, $0xb8;
	[tilespmem:$0x1AF90] =	vst v63  }
0x23: {  	_ =	swait.ge [sflag:s16], $0x13880  }
0x24: {  	[sflag:s16] =	ssyncset.done $0x0  }
0x25: {  	[sflag:s16] =	ssyncadd.s32 $0xFFFEC780  }
0x26: {  	[spmem:s2] =	stream.indirect.scatter.add.f32 [tilespmem:s15], [sflag:$0x2], $0x10, s13, s14, $0xb8;
	[tilespmem:$0x1AF90] =	vst v63  }
0x27: {  	_ =	swait.ge [sflag:s11], $0x13880  }
0x28: {  	s19 =	sadd.s32 $0x1, s19;
	[sflag:s11] =	ssyncset.done $0x0  }
0x29: {  	p0 =	sne.s32 s19, s8;
	[sflag:s11] =	ssyncadd.s32 $0xFFFEC780  }
.Ltmp1:
0x2a: {  	[bflag:$0x0] =	sbarrier.arrive $0xFFFF;
	(pc) =	sbr.rel @p0 .LBB2_1-.Ltmp1, $4  }
0x2b: {  	[hbm:s9], [sflag:s17] =	dma.local [spmem:s18], $0x500  }
0x2c: {  	_ =	swait.ge [sflag:s11], $0x500  }
0x2d: {  	[sflag:s11] =	ssyncset.done $0x0  }
0x2e: {  	[sflag:s11] =	ssyncadd.s32 $0xFFFFFB00  }
0x2f: {  	_ =	sfence.sel $0x180000  }
0x30: {  	[bflag:$0x0] =	sbarrier.arrive $0xFFFF  }
0x31: {  	p0 =	sne.s32 s1, $0x0;
	_ =	strace $0x9000004A  }
0x32: {  	s0 =	sadd.s32 @!p0 $0x100000, s0;
	[bflag:$0x2] =	sbarrier.arrive $0xFFFF  }
0x33: {  	[sflag:s0] =	ssyncadd.tile.s32 @!p0 $0x1;
	_ =	shalt  }
.Lfunc_end2:
_tile_overlayer_lowered:
.L_overlay_start_2:
0x34: {  	(tag) =	ssettag $0x2  }
0x35: {  	s0 =	rddreg [dreg:$0x0];
	s2 =	stileid.u32  }
0x36: {  	s1 =	rddreg [dreg:$0x1];
	p0 =	sne.s32 s2, $0x0  }
0x37: {  	s3 =	rddreg [dreg:$0x2];
	[bflag:$0x3] =	sbarrier.arrive $0xFFFF;
	s2 =	simm.s32 @!p0 $0x1C02  }
0x38: {  	[timem:s3], [sflag:s2] =	dma.local @!p0 [hbm:s0], s1  }
0x39: {  	s0 =	simm.s32 @!p0 $0x2  }
0x3a: {  	_ =	swait.ge @!p0 [sflag:s0], s1  }
0x3b: {  	s1 =	ssub.s32 @!p0 $0x0, s1;
	[sflag:s0] =	ssyncset.done @!p0 $0x0  }
0x3c: {  	[sflag:s0] =	ssyncadd.s32 @!p0 s1  }
0x3d: {  	[bflag:$0x3] =	sbarrier.arrive $0xFFFF  }
0x3e: {  	_ =	shalt  }

// kernel: kernel.13.cloned.1.call-start
scs
__scs_entry_jumppad:
0x0: {  	(pc) =	sbr.rel $0x88, $3  }
0x1: {  	(tag) =	ssettag $0x0;
	lr =	simm.s32 $0x1  }
0x2: {  	[smem:$0x3F9B] =	sst lr;
	_ =	strace $0xD0000000  }
0x3: {  	_ = 	snop  }
0x4: {  	_ = 	snop  }
0x5: {  	_ = 	snop  }
0x6: {  	_ = 	snop  }
0x7: {  	_ = 	snop  }
__scs_overlays_trampoline_lowered:
0x8: {  	[smem:$0x3FAA] =	sst s0  }
0x9: {  	[smem:$0x3FAB] =	sst s1  }
0xa: {  	[smem:$0x3FAC] =	sst s2  }
0xb: {  	[smem:$0x3FAD] =	sst s3  }
0xc: {  	[smem:$0x3FAE] =	sst s4  }
0xd: {  	[smem:$0x3FAF] =	sst s5  }
0xe: {  	[smem:$0x3FB0] =	sst s6  }
0xf: {  	[smem:$0x3FB1] =	sst s7  }
0x10: {  	[smem:$0x3FB2] =	sst s8  }
0x11: {  	[smem:$0x3FB3] =	sst s9;
	s0 =	simm.s32 @!p0 $0x0  }
0x12: {  	s1 =	sld [smem:$0x3F99];
	s0 =	simm.s32 @p0 $0x1  }
0x13: {  	[smem:$0x3FB4] =	sst s0;
	s0 =	simm.s32 @!p1 $0x0  }
0x14: {  	s2 =	sld [smem:$0x3F98];
	s0 =	simm.s32 @p1 $0x1  }
0x15: {  	[smem:$0x3FB5] =	sst s0;
	s0 =	simm.s32 @!p2 $0x0  }
0x16: {  	s3 =	sld [smem:$0x3FDB];
	s0 =	simm.s32 @p2 $0x1  }
0x17: {  	s4 =	simm.s32 $0x1BF5;
	[smem:$0x3FB7] =	sst s0  }
0x18: {  	s0 =	sld [smem:$0x3F9A];
	_ =	swait.ge [sflag:s4], $0x0  }
0x19: {  	s7 =	sld [smem:$0x3F9B]  }
0x1a: {  	s8 =	sadd.s32 $0xFFFFE003, lr  }
0x1b: {  	s9 =	sadd.s32 $0xFFFFFEF7, lr;
	s5 =	simm.s32 $0xFFFFFFFF;
	p2 =	slt.u32 s8, $0xFFFFF086  }
0x1c: {  	p1 =	slt.u32 s9, $0xF7A;
	s5 =	simm.s32 @!p2 $0x0  }
0x1d: {  	s5 =	simm.s32 @p1 $0x1;
	p0 =	seq.s32 s7, s2  }
0x1e: {  	s7 =	smul.u32 @!p0 $0xF7A, s2;
	p2 =	seq.s32 @!p0 s5, $0x0  }
0x1f: {  	s9 =	smul.u32 $0xF7A, s1;
	s8 =	simm.s32 @!p0 $0x1BF5;
	p2 =	por !p2, p0  }
0x20: {  	[sflag:s8] =	ssyncset.s32 @!p0 $0xFFFFF086;
	s6 =	sadd.s32 @!p0 s3, s7;
	s7 =	simm.s32 @!p0 $0x108  }
0x21: {  	s3 =	sadd.s32 s3, s9;
	s6 =	sadd.s32 @!p0 $0x88, s6;
	s7 =	simm.s32 @p2 $0x1082  }
0x22: {  	[simem:s7], [sflag:s8] =	dma.local @!p0 [hbm:s6], $0xF7A  }
0x23: {  	s9 =	sor.u32 $0xD0000000, s2;
	s6 =	simm.s32 $0x108;
	_ =	swait.ge @!p0 [sflag:s8], $0x0  }
0x24: {  	s3 =	sadd.s32 $0x88, s3;
	s6 =	simm.s32 @!p1 $0x1082;
	[sflag:s4] =	ssyncset.s32 $0xFFFFF086  }
0x25: {  	[simem:s6], [sflag:s4] =	dma.local [hbm:s3], $0xF7A  }
0x26: {  	[smem:$0x3F9B] =	sst s1;
	(tag) =	ssettag s2;
	_ =	strace s9  }
0x27: {  	s1 =	sld [smem:$0x3FAB]  }
0x28: {  	s2 =	sld [smem:$0x3FAC]  }
0x29: {  	s4 =	sld [smem:$0x3FAE]  }
0x2a: {  	p0 =	seq.s32 s5, $0x0;
	s5 =	sld [smem:$0x3FAF]  }
0x2b: {  	s6 =	sld [smem:$0x3FB0]  }
0x2c: {  	s7 =	sld [smem:$0x3FB1]  }
0x2d: {  	s3 =	simm.s32 $0x108;
	s8 =	sld [smem:$0x3FB2]  }
0x2e: {  	s3 =	simm.s32 @!p0 $0x1082;
	s9 =	sld [smem:$0x3FB3]  }
0x2f: {  	lr =	sadd.s32 s0, s3;
	s0 =	sld [smem:$0x3FAA]  }
0x30: {  	s3 =	sld [smem:$0x3FAD]  }
0x31: {  	[smem:$0x3FB6] =	sst s10  }
0x32: {  	s10 =	sld [smem:$0x3FB4];
	_ =	sdelay $0x3  }
0x33: {  	p0 =	seq.s32 s10, $0x1;
	s10 =	sld [smem:$0x3FB6];
	_ =	sdelay $0x3  }
0x34: {  	[smem:$0x3FB6] =	sst s10  }
0x35: {  	s10 =	sld [smem:$0x3FB5];
	_ =	sdelay $0x3  }
0x36: {  	p1 =	seq.s32 s10, $0x1;
	s10 =	sld [smem:$0x3FB6];
	_ =	sdelay $0x3  }
0x37: {  	[smem:$0x3FB6] =	sst s10  }
0x38: {  	s10 =	sld [smem:$0x3FB7]  }
0x39: {  	_ = 	snop;
	(pc) =	sbr.ind lr, $3  }
0x3a: {  	_ = 	snop  }
0x3b: {  	_ = 	snop  }
0x3c: {  	p2 =	seq.s32 s10, $0x1;
	s10 =	sld [smem:$0x3FB6]  }
0x3d: {  	_ =	shalt  }
0x3e: {  	_ =	shalt  }
0x3f: {  	_ =	shalt  }
0x40: {  	_ =	shalt  }
0x41: {  	_ =	shalt  }
0x42: {  	_ =	shalt  }
0x43: {  	_ =	shalt  }
0x44: {  	_ =	shalt  }
0x45: {  	_ =	shalt  }
0x46: {  	_ =	shalt  }
0x47: {  	_ =	shalt  }
0x48: {  	_ =	shalt  }
0x49: {  	_ =	shalt  }
0x4a: {  	_ =	shalt  }
0x4b: {  	_ =	shalt  }
0x4c: {  	_ =	shalt  }
0x4d: {  	_ =	shalt  }
0x4e: {  	_ =	shalt  }
0x4f: {  	_ =	shalt  }
0x50: {  	_ =	shalt  }
0x51: {  	_ =	shalt  }
0x52: {  	_ =	shalt  }
0x53: {  	_ =	shalt  }
0x54: {  	_ =	shalt  }
0x55: {  	_ =	shalt  }
0x56: {  	_ =	shalt  }
0x57: {  	_ =	shalt  }
0x58: {  	_ =	shalt  }
0x59: {  	_ =	shalt  }
0x5a: {  	_ =	shalt  }
0x5b: {  	_ =	shalt  }
0x5c: {  	_ =	shalt  }
0x5d: {  	_ =	shalt  }
0x5e: {  	_ =	shalt  }
0x5f: {  	_ =	shalt  }
0x60: {  	_ =	shalt  }
0x61: {  	_ =	shalt  }
0x62: {  	_ =	shalt  }
0x63: {  	_ =	shalt  }
0x64: {  	_ =	shalt  }
0x65: {  	_ =	shalt  }
0x66: {  	_ =	shalt  }
0x67: {  	_ =	shalt  }
0x68: {  	_ =	shalt  }
0x69: {  	_ =	shalt  }
0x6a: {  	_ =	shalt  }
0x6b: {  	_ =	shalt  }
0x6c: {  	_ =	shalt  }
0x6d: {  	_ =	shalt  }
0x6e: {  	_ =	shalt  }
0x6f: {  	_ =	shalt  }
0x70: {  	_ =	shalt  }
0x71: {  	_ =	shalt  }
0x72: {  	_ =	shalt  }
0x73: {  	_ =	shalt  }
0x74: {  	_ =	shalt  }
0x75: {  	_ =	shalt  }
0x76: {  	_ =	shalt  }
0x77: {  	_ =	shalt  }
0x78: {  	_ =	shalt  }
0x79: {  	_ =	shalt  }
0x7a: {  	_ =	shalt  }
0x7b: {  	_ =	shalt  }
0x7c: {  	_ =	shalt  }
0x7d: {  	_ =	shalt  }
0x7e: {  	_ =	shalt  }
0x7f: {  	_ =	shalt  }
0x80: {  	_ =	shalt  }
0x81: {  	_ =	shalt  }
0x82: {  	_ =	shalt  }
0x83: {  	_ =	shalt  }
0x84: {  	_ =	shalt  }
0x85: {  	_ =	shalt  }
0x86: {  	_ =	shalt  }
0x87: {  	_ =	shalt  }
.Lfunc_end0:
.L_simem_size_0:
called_computation.2_lowered:
.L_overlay_start_0:
0x88: {  	s2 =	sld [smem:$0x3FD9]  }
0x89: {  	s3 =	sld [smem:$0x3FFE];
	_ =	sdelay $0x1  }
0x8a: {  	s1 =	srdreg.scid  }
0x8b: {  	s0 =	sand.u32 $0x1, s1  }
0x8c: {  	s16 =	sshll.u32 s0, $0xA;
	s2 =	sadd.s32 s3, s2  }
0x8d: {  	s2 =	sadd.s32 s2, s16  }
0x8e: {  	[smem:$0x3FC2] =	sst s2  }
0x8f: {  	_ = 	snop  }
0x90: {  	(tm) =	ssettm $0x1  }
0x91: {  	s17 =	sld [smem:$0x3FFB];
	_ =	sdelay $0x3  }
0x92: {  	_ =	strace s17  }
0x93: {  	s2 =	sld [smem:$0x3FFC];
	_ =	sdelay $0x3  }
0x94: {  	_ =	strace s2  }
0x95: {  	s2 =	sld [smem:$0x3FFD];
	_ =	sdelay $0x3  }
0x96: {  	_ =	strace s2  }
0x97: {  	_ =	strace $0x8FFFFFFF  }
0x98: {  	s18 =	sld [smem:$0x3FDB];
	_ =	sdelay $0x1  }
0x99: {  	s19 =	simm.s32 $_scs_section_size  }
0x9a: {  	s4 =	simm.s32 $_size__tile_overlayer_lowered;
	s5 =	simm.s32 $_tile_overlayer_lowered  }
0x9b: {  	s22 =	simm.s32 $0x1BFF;
	s21 =	sshll.u32 s5, $0x1;
	s2 =	sadd.s32 s19, s18  }
0x9c: {  	s6 =	simm.s32 $0x0;
	s20 =	sshll.u32 s4, $0x1;
	s4 =	sadd.s32 s21, s2  }
0x9d: {  	[timem:s6], [sflag:s22] =	dma.local [hbm:s4], s20  }
0x9e: {  	_ =	swait.ge [sflag:s22], s20  }
0x9f: {  	s3 =	ssub.s32 $0x0, s20;
	[sflag:s22] =	ssyncset.done $0x0  }
0xa0: {  	[sflag:s22] =	ssyncadd.s32 s3;
	_ =	sdelay $0x1  }
0xa1: {  	s23 =	simm.s32 $0x1B8B  }
0xa2: {  	_ =	swait.ge [sflag:s23], $0x1  }
0xa3: {  	[sflag:s23] =	ssyncset.done $0x0  }
0xa4: {  	s25 =	simm.s32 $0x1B8E;
	s24 =	sld [smem:$0x3FFE];
	[sflag:s23] =	ssyncadd.s32 $0xFFFFFFFF  }
0xa5: {  	s26 =	simm.s32 $execute0_lowered;
	[smem:$0x3FD2] =	sst s25  }
0xa6: {  	s4 =	sshll.u32 s26, $0x1;
	_ =	strace $0x8000004C;
	[dreg:$0x1] =	wrdreg $0xFFFFFFFF  }
0xa7: {  	s28 =	simm.s32 $_size_execute0_lowered;
	s2 =	sadd.s32 s2, s4;
	[dreg:$0x0] =	wrdreg $0x0  }
0xa8: {  	s4 =	sshll.u32 s28, $0x1;
	[dreg:$0x2] =	wrdreg s2  }
0xa9: {  	[dreg:$0x3] =	wrdreg s4  }
0xaa: {  	[dreg:$0x4] =	wrdreg $0xC0  }
0xab: {  	_ =	task [dreg:s6], $0x5FFFF  }
0xac: {  	[dreg:$0x1] =	wrdreg $0xFFFFFFFF  }
0xad: {  	[dreg:$0x0] =	wrdreg $0x60  }
0xae: {  	[dreg:$0x2] =	wrdreg s24  }
0xaf: {  	[dreg:$0x3] =	wrdreg $0x0  }
0xb0: {  	[dreg:$0x4] =	wrdreg $0x9  }
0xb1: {  	_ =	task.clear_ibuf [dreg:s6], $0x5FFFF;
	_ =	strace $0x9000004C  }
0xb2: {  	s29 =	simm.s32 $0x9;
	_ =	strace $0x8000004E  }
0xb3: {  	_ =	swait.ge [sflag:s29], $0x1  }
0xb4: {  	[sflag:s29] =	ssyncadd.s32 $0xFFFFFFFF  }
0xb5: {  	_ =	strace $0x9000004E  }
0xb6: {  	_ =	sfence  }
0xb7: {  	s30 =	sld [smem:$0x0];
	_ =	sdelay $0x2  }
0xb8: {  	s31 =	sshll.u32 s1, $0xD;
	s1 =	sshrl.u32 s1, $0x2  }
0xb9: {  	s3 =	sand.u32 $0x4000, s31;
	s1 =	sadd.s32 s1, s30  }
0xba: {  	s0 =	sor.u32 s3, s0;
	s1 =	sshll.u32 s1, $0x11  }
0xbb: {  	s0 =	sor.u32 s1, s0  }
0xbc: {  	s0 =	sadd.s32 $0x8F2B, s0  }
0xbd: {  	[sflag:s0] =	ssyncadd.remote.s32 $0x1  }
0xbe: {  	_ =	sfence.sel $0xFFFF  }
0xbf: {  	[dreg:$0x0] =	wrdreg $0xFFFFFFFF;
	(pc) =	sbr.abs _section_cstart, $3  }
0xc0: {  	[dreg:$0x1] =	wrdreg $0xFFFFFFFF  }
0xc1: {  	_ =	task.clear_ibuf [dreg:s6], $0x2FFFF;
	_ =	strace $0x9FFFFFFF  }
0xc2: {  	(tm) =	ssettm $0x7FFFFFFF  }
0xc3: {  	_ =	shalt  }
tec
execute0_lowered:
.L_overlay_start_1:
0x0: {  	(tag) =	ssettag $0x1  }
0x1: {  	s1 =	srdreg.scid  }
0x2: {  	s1 =	sand.u32 $0x1, s1  }
0x3: {  	p0 =	seq.s32 s1, $0x1  }
.Ltmp0:
0x4: {  	_ = 	snop;
	(pc) =	sbr.rel @p0 .LBB2_6-.Ltmp0, $4  }
0x5: {  	s3 =	rddreg [dreg:$0x0]  }
0x6: {  	s2 =	rddreg [dreg:$0x1];
	s4 =	simm.s32 $0x0  }
0x7: {  	[smem:$0x7FF] =	sst s4  }
0x8: {  	s0 =	rddreg [dreg:$0x2];
	_ =	strace $0x8000004D;
	s1 =	stileid.u32  }
0x9: {  	v0 =	vimm.f32 $0.0e+00  }
0xa: {  	[tilespmem:$0x9FB0] =	vst v0  }
0xb: {  	[tilespmem:$0x9FC0] =	vst v0  }
0xc: {  	[tilespmem:$0x9FD0] =	vst v0  }
0xd: {  	[tilespmem:$0x9FE0] =	vst v0  }
0xe: {  	[tilespmem:$0x9FF0] =	vst v0  }
0xf: {  	[tilespmem:$0xA000] =	vst v0  }
0x10: {  	[tilespmem:$0xA010] =	vst v0  }
0x11: {  	[tilespmem:$0xA020] =	vst v0  }
0x12: {  	[tilespmem:$0xA030] =	vst v0  }
0x13: {  	[tilespmem:$0xA040] =	vst v0  }
0x14: {  	[tilespmem:$0xA050] =	vst v0  }
0x15: {  	[tilespmem:$0xA060] =	vst v0  }
0x16: {  	[tilespmem:$0xA070] =	vst v0  }
0x17: {  	[tilespmem:$0xA080] =	vst v0  }
0x18: {  	[tilespmem:$0xA090] =	vst v0  }
0x19: {  	[tilespmem:$0xA0A0] =	vst v0  }
0x1a: {  	[tilespmem:$0xA0B0] =	vst v0  }
0x1b: {  	[tilespmem:$0xA0C0] =	vst v0  }
0x1c: {  	[tilespmem:$0xA0D0] =	vst v0  }
0x1d: {  	[tilespmem:$0xA0E0] =	vst v0  }
0x1e: {  	[tilespmem:$0xA0F0] =	vst v0  }
0x1f: {  	[tilespmem:$0xA100] =	vst v0  }
0x20: {  	[tilespmem:$0xA110] =	vst v0  }
0x21: {  	[tilespmem:$0xA120] =	vst v0  }
0x22: {  	[tilespmem:$0xA130] =	vst v0  }
0x23: {  	[tilespmem:$0xA140] =	vst v0  }
0x24: {  	[tilespmem:$0xA150] =	vst v0  }
0x25: {  	[tilespmem:$0xA160] =	vst v0  }
0x26: {  	[tilespmem:$0xA170] =	vst v0  }
0x27: {  	[tilespmem:$0xA180] =	vst v0  }
0x28: {  	[tilespmem:$0xA190] =	vst v0  }
0x29: {  	[tilespmem:$0xA1A0] =	vst v0  }
0x2a: {  	[tilespmem:$0xA1B0] =	vst v0  }
0x2b: {  	[tilespmem:$0xA1C0] =	vst v0  }
0x2c: {  	[tilespmem:$0xA1D0] =	vst v0  }
0x2d: {  	[tilespmem:$0xA1E0] =	vst v0  }
0x2e: {  	[tilespmem:$0xA1F0] =	vst v0  }
0x2f: {  	s9 =	smul.u32 $0x280, s1;
	[tilespmem:$0xA200] =	vst v0  }
0x30: {  	[tilespmem:$0xA210] =	vst v0  }
0x31: {  	s6 =	simm.s32 $0x9FB0;
	s7 =	simm.s32 $0x1;
	[tilespmem:$0xA220] =	vst v0;
	s5 =	sadd.s32 s9, s2  }
0x32: {  	[spmem:s5] =	stream.linear.scatter [tilespmem:s6], [sflag:$0x1], $0x280, $0x38;
	[tilespmem:$0xA740] =	vst v63  }
0x33: {  	_ =	swait.ge [sflag:s7], $0x280  }
0x34: {  	[sflag:s7] =	ssyncset.done $0x0  }
0x35: {  	s8 =	sadd.s32 $0xA600, s3;
	s6 =	simm.s32 $0x280;
	[sflag:s7] =	ssyncadd.s32 $0xFFFFFD80  }
0x36: {  	[tilespmem:s6], [sflag:$0x1] =	stream.linear.gather [hbm4b:s8+s4], $0x2800, $0x38;
	[tilespmem:$0xA740] =	vst v63  }
0x37: {  	_ =	swait.ge [sflag:s7], $0x2800  }
0x38: {  	[sflag:s7] =	ssyncset.done $0x0  }
0x39: {  	s24 =	sadd.s32 $0xAC00, s3;
	s10 =	simm.s32 $0xA730;
	[sflag:s7] =	ssyncadd.s32 $0xFFFFD800  }
0x3a: {  	[tilespmem:s10], [sflag:$0x1] =	stream.linear.gather [hbm4b:s24+s4], $0x10, $0x38;
	[tilespmem:$0xA740] =	vst v63  }
0x3b: {  	s25 =	smul.u32 $0x4E2, s1;
	_ =	swait.ge [sflag:s7], $0x10  }
0x3c: {  	s26 =	sadd.s32 $0x600, s3;
	[sflag:s7] =	ssyncset.done $0x0  }
0x3d: {  	s11 =	simm.s32 $0x2A80;
	s10 =	sadd.s32 s26, s25;
	[sflag:s7] =	ssyncadd.s32 $0xFFFFFFF0  }
0x3e: {  	[tilespmem:s11], [sflag:$0x1] =	stream.linear.gather [hbm4b:s10+s4], $0x2710, $0x38;
	[tilespmem:$0xA740] =	vst v63  }
0x3f: {  	_ =	swait.ge [sflag:s7], $0x2710  }
0x40: {  	s28 =	sadd.s32 $0x5600, s3;
	[sflag:s7] =	ssyncset.done $0x0  }
0x41: {  	s29 =	simm.s32 $0x5190;
	s8 =	sadd.s32 s28, s25;
	[sflag:s7] =	ssyncadd.s32 $0xFFFFD8F0  }
0x42: {  	[tilespmem:s29], [sflag:$0x1] =	stream.linear.gather [hbm4b:s8+s4], $0x2710, $0x38;
	[tilespmem:$0xA740] =	vst v63  }
0x43: {  	_ =	swait.ge [sflag:s7], $0x2710  }
0x44: {  	[sflag:s7] =	ssyncset.done $0x0  }
0x45: {  	s8 =	simm.s32 $0x0;
	[sflag:s7] =	ssyncadd.s32 $0xFFFFD8F0  }
0x46: {  	v0 =	vld [tilespmem:s8+$0x2A80];
	_ =	sdelay $0x4  }
0x47: {  	s30 =	sshrl.u32 s9, $0x3  }
0x48: {  	s31 =	sadd.s32 s30, s3  }
0x49: {  	s3 =	sadd.s32 $0xAE00, s31;
	s10 =	simm.s32 $0x80  }
0x4a: {  	s4 =	sadd.s32 $0x280, s9;
	s9 =	simm.s32 $0x10;
	s7 =	sadd.s32 $0x41600, s31;
	v0 =	vld.idx.msk [tilespmem:v0+s6+$0x0], $0xffff  }
.LBB2_2:
0x4b: {  	p0 =	sne.s32 s10, $0x9C00;
	v1 =	vld [tilespmem:s9+$0x2A80];
	_ =	sdelay $0x3  }
.Ltmp1:
0x4c: {  	(pc) =	sbr.rel @p0 .LBB2_2-.Ltmp1, $2  }
0x4d: {  	[tilespmem:s8+$0x78A0] =	vst v0;
	s8 =	smov.u32 s9;
	_ =	sdelay $0x2  }
0x4e: {  	s9 =	sshra.s32 s10, $0x2;
	s10 =	sadd.s32 $0x40, s10;
	v0 =	vld.idx.msk [tilespmem:v1+s6+$0x0], $0xffff  }
0x4f: {  	v1 =	vld [tilespmem:s9+$0x2A80];
	_ =	sdelay $0x6  }
0x50: {  	[tilespmem:s8+$0x78A0] =	vst v0  }
0x51: {  	v0 =	vld.idx.msk [tilespmem:v1+s6+$0x0], $0xffff;
	_ =	sdelay $0x4  }
0x52: {  	s24 =	simm.s32 $0x2710;
	s25 =	simm.s32 $0x5190;
	[tilespmem:s9+$0x78A0] =	vst v0  }
0x53: {  	s26 =	simm.s32 $0x78A0;
	s28 =	simm.s32 $0x1;
	[bflag:$0x0] =	sbarrier.arrive $0xFFFF  }
0x54: {  	[spmem:s2] =	stream.indirect.scatter.add.f32 [tilespmem:s26], [sflag:$0x1], $0x1, s25, s24, $0xb8;
	[tilespmem:$0xA740] =	vst v63  }
0x55: {  	_ =	swait.ge [sflag:s28], $0x2710  }
0x56: {  	[sflag:s28] =	ssyncset.done $0x0  }
0x57: {  	[sflag:s28] =	ssyncadd.s32 $0xFFFFD8F0  }
0x58: {  	s29 =	simm.s32 $0xA230;
	[bflag:$0x0] =	sbarrier.arrive $0xFFFF  }
0x59: {  	[tilespmem:s29], [sflag:$0x1] =	stream.linear.gather [spmem:s5], $0x280, $0x38;
	[tilespmem:$0xA740] =	vst v63  }
0x5a: {  	_ =	swait.ge [sflag:s28], $0x280  }
0x5b: {  	[sflag:s28] =	ssyncset.done $0x0  }
0x5c: {  	s30 =	simm.s32 $0x0;
	s31 =	simm.s32 $0xA4B0;
	[sflag:s28] =	ssyncadd.s32 $0xFFFFFD80  }
0x5d: {  	v1 =	vmov s4;
	[tilespmem:s31], [sflag:$0x1] =	stream.linear.gather [hbm4b:s7+s30], $0x280, $0x38;
	[tilespmem:$0xA740] =	vst v63  }
0x5e: {  	_ =	swait.ge [sflag:s28], $0x280  }
0x5f: {  	[sflag:s28] =	ssyncset.done $0x0  }
0x60: {  	[sflag:s28] =	ssyncadd.s32 $0xFFFFFD80  }
0x61: {  	s4 =	simm.s32 $0x40;
	s2 =	simm.s32 $0x0;
	v0 =	vld [tilespmem:$0xA730]  }
.LBB2_4:
0x62: {  	p0 =	sne.s32 s4, $0x9C0;
	v2 =	vld.idx.msk [tilespmem:v1+s2+$0x0 ss:$0x1], $0xffff  }
0x63: {  	v3 =	vld [tilespmem:s2+$0xA230];
	_ =	sdelay $0x1  }
0x64: {  	v4 =	vld [tilespmem:s2+$0xA4B0];
	_ =	sdelay $0x2  }
0x65: {  	v2 =	vadd.f32 v3, v2;
	_ =	sdelay $0x1  }
.Ltmp2:
0x66: {  	v2 =	vmul.f32 v4, v2;
	(pc) =	sbr.rel @p0 .LBB2_4-.Ltmp2, $3  }
0x67: {  	_ = 	snop  }
0x68: {  	v2 =	vadd.f32 v2, v0;
	_ =	sdelay $0x1  }
0x69: {  	[tilespmem:s2+$0xA230] =	vst v2;
	s2 =	sshra.s32 s4, $0x2;
	s4 =	sadd.s32 $0x40, s4  }
0x6a: {  	_ =	sdelay $0x3  }
0x6b: {  	v1 =	vld.idx.msk [tilespmem:v1+s2+$0x0 ss:$0x1], $0xffff  }
0x6c: {  	v2 =	vld [tilespmem:s2+$0xA230];
	_ =	sdelay $0x1  }
0x6d: {  	v3 =	vld [tilespmem:s2+$0xA4B0];
	_ =	sdelay $0x2  }
0x6e: {  	v1 =	vadd.f32 v2, v1;
	_ =	sdelay $0x1  }
0x6f: {  	v1 =	vmul.f32 v3, v1;
	_ =	sdelay $0x1  }
0x70: {  	v0 =	vadd.f32 v1, v0;
	_ =	sdelay $0x1  }
0x71: {  	s30 =	simm.s32 $0x0;
	s4 =	simm.s32 $0xA230;
	s31 =	simm.s32 $0x1;
	[tilespmem:s2+$0xA230] =	vst v0  }
0x72: {  	[hbm4b:s3+s30] =	stream.linear.scatter [tilespmem:s4], [sflag:$0x1], $0x280, $0x38;
	[tilespmem:$0xA740] =	vst v63  }
0x73: {  	_ =	swait.ge [sflag:s31], $0x280  }
0x74: {  	[sflag:s31] =	ssyncset.done $0x0  }
0x75: {  	[sflag:s31] =	ssyncadd.s32 $0xFFFFFD80  }
.LBB2_6:
0x76: {  	_ =	sfence.sel $0x180000  }
0x77: {  	[bflag:$0x0] =	sbarrier.arrive $0xFFFF  }
0x78: {  	p0 =	sne.s32 s1, $0x0;
	_ =	strace $0x9000004D  }
0x79: {  	s0 =	sadd.s32 @!p0 $0x100000, s0;
	[bflag:$0x2] =	sbarrier.arrive $0xFFFF  }
0x7a: {  	[sflag:s0] =	ssyncadd.tile.s32 @!p0 $0x1;
	_ =	shalt  }
.Lfunc_end2:
_tile_overlayer_lowered:
.L_overlay_start_2:
0x7b: {  	(tag) =	ssettag $0x2  }
0x7c: {  	s0 =	rddreg [dreg:$0x0];
	s2 =	stileid.u32  }
0x7d: {  	s1 =	rddreg [dreg:$0x1];
	p0 =	sne.s32 s2, $0x0  }
0x7e: {  	s3 =	rddreg [dreg:$0x2];
	[bflag:$0x3] =	sbarrier.arrive $0xFFFF;
	s2 =	simm.s32 @!p0 $0x1C01  }
0x7f: {  	[timem:s3], [sflag:s2] =	dma.local @!p0 [hbm:s0], s1  }
0x80: {  	s0 =	simm.s32 @!p0 $0x1  }
0x81: {  	_ =	swait.ge @!p0 [sflag:s0], s1  }
0x82: {  	s1 =	ssub.s32 @!p0 $0x0, s1;
	[sflag:s0] =	ssyncset.done @!p0 $0x0  }
0x83: {  	[sflag:s0] =	ssyncadd.s32 @!p0 s1  }
0x84: {  	[bflag:$0x3] =	sbarrier.arrive $0xFFFF  }
0x85: {  	_ =	shalt  }

// kernel: kernel.7.cloned.1.call-start
scs
__scs_entry_jumppad:
0x0: {  	(pc) =	sbr.rel $0x88, $3  }
0x1: {  	(tag) =	ssettag $0x0;
	lr =	simm.s32 $0x1  }
0x2: {  	[smem:$0x3F9B] =	sst lr;
	_ =	strace $0xD0000000  }
0x3: {  	_ = 	snop  }
0x4: {  	_ = 	snop  }
0x5: {  	_ = 	snop  }
0x6: {  	_ = 	snop  }
0x7: {  	_ = 	snop  }
__scs_overlays_trampoline_lowered:
0x8: {  	[smem:$0x3FAA] =	sst s0  }
0x9: {  	[smem:$0x3FAB] =	sst s1  }
0xa: {  	[smem:$0x3FAC] =	sst s2  }
0xb: {  	[smem:$0x3FAD] =	sst s3  }
0xc: {  	[smem:$0x3FAE] =	sst s4  }
0xd: {  	[smem:$0x3FAF] =	sst s5  }
0xe: {  	[smem:$0x3FB0] =	sst s6  }
0xf: {  	[smem:$0x3FB1] =	sst s7  }
0x10: {  	[smem:$0x3FB2] =	sst s8  }
0x11: {  	[smem:$0x3FB3] =	sst s9;
	s0 =	simm.s32 @!p0 $0x0  }
0x12: {  	s1 =	sld [smem:$0x3F99];
	s0 =	simm.s32 @p0 $0x1  }
0x13: {  	[smem:$0x3FB4] =	sst s0;
	s0 =	simm.s32 @!p1 $0x0  }
0x14: {  	s2 =	sld [smem:$0x3F98];
	s0 =	simm.s32 @p1 $0x1  }
0x15: {  	[smem:$0x3FB5] =	sst s0;
	s0 =	simm.s32 @!p2 $0x0  }
0x16: {  	s3 =	sld [smem:$0x3FDB];
	s0 =	simm.s32 @p2 $0x1  }
0x17: {  	s4 =	simm.s32 $0x1BF5;
	[smem:$0x3FB7] =	sst s0  }
0x18: {  	s0 =	sld [smem:$0x3F9A];
	_ =	swait.ge [sflag:s4], $0x0  }
0x19: {  	s7 =	sld [smem:$0x3F9B]  }
0x1a: {  	s8 =	sadd.s32 $0xFFFFE003, lr  }
0x1b: {  	s9 =	sadd.s32 $0xFFFFFEF7, lr;
	s5 =	simm.s32 $0xFFFFFFFF;
	p2 =	slt.u32 s8, $0xFFFFF086  }
0x1c: {  	p1 =	slt.u32 s9, $0xF7A;
	s5 =	simm.s32 @!p2 $0x0  }
0x1d: {  	s5 =	simm.s32 @p1 $0x1;
	p0 =	seq.s32 s7, s2  }
0x1e: {  	s7 =	smul.u32 @!p0 $0xF7A, s2;
	p2 =	seq.s32 @!p0 s5, $0x0  }
0x1f: {  	s9 =	smul.u32 $0xF7A, s1;
	s8 =	simm.s32 @!p0 $0x1BF5;
	p2 =	por !p2, p0  }
0x20: {  	[sflag:s8] =	ssyncset.s32 @!p0 $0xFFFFF086;
	s6 =	sadd.s32 @!p0 s3, s7;
	s7 =	simm.s32 @!p0 $0x108  }
0x21: {  	s3 =	sadd.s32 s3, s9;
	s6 =	sadd.s32 @!p0 $0x88, s6;
	s7 =	simm.s32 @p2 $0x1082  }
0x22: {  	[simem:s7], [sflag:s8] =	dma.local @!p0 [hbm:s6], $0xF7A  }
0x23: {  	s9 =	sor.u32 $0xD0000000, s2;
	s6 =	simm.s32 $0x108;
	_ =	swait.ge @!p0 [sflag:s8], $0x0  }
0x24: {  	s3 =	sadd.s32 $0x88, s3;
	s6 =	simm.s32 @!p1 $0x1082;
	[sflag:s4] =	ssyncset.s32 $0xFFFFF086  }
0x25: {  	[simem:s6], [sflag:s4] =	dma.local [hbm:s3], $0xF7A  }
0x26: {  	[smem:$0x3F9B] =	sst s1;
	(tag) =	ssettag s2;
	_ =	strace s9  }
0x27: {  	s1 =	sld [smem:$0x3FAB]  }
0x28: {  	s2 =	sld [smem:$0x3FAC]  }
0x29: {  	s4 =	sld [smem:$0x3FAE]  }
0x2a: {  	p0 =	seq.s32 s5, $0x0;
	s5 =	sld [smem:$0x3FAF]  }
0x2b: {  	s6 =	sld [smem:$0x3FB0]  }
0x2c: {  	s7 =	sld [smem:$0x3FB1]  }
0x2d: {  	s3 =	simm.s32 $0x108;
	s8 =	sld [smem:$0x3FB2]  }
0x2e: {  	s3 =	simm.s32 @!p0 $0x1082;
	s9 =	sld [smem:$0x3FB3]  }
0x2f: {  	lr =	sadd.s32 s0, s3;
	s0 =	sld [smem:$0x3FAA]  }
0x30: {  	s3 =	sld [smem:$0x3FAD]  }
0x31: {  	[smem:$0x3FB6] =	sst s10  }
0x32: {  	s10 =	sld [smem:$0x3FB4];
	_ =	sdelay $0x3  }
0x33: {  	p0 =	seq.s32 s10, $0x1;
	s10 =	sld [smem:$0x3FB6];
	_ =	sdelay $0x3  }
0x34: {  	[smem:$0x3FB6] =	sst s10  }
0x35: {  	s10 =	sld [smem:$0x3FB5];
	_ =	sdelay $0x3  }
0x36: {  	p1 =	seq.s32 s10, $0x1;
	s10 =	sld [smem:$0x3FB6];
	_ =	sdelay $0x3  }
0x37: {  	[smem:$0x3FB6] =	sst s10  }
0x38: {  	s10 =	sld [smem:$0x3FB7]  }
0x39: {  	_ = 	snop;
	(pc) =	sbr.ind lr, $3  }
0x3a: {  	_ = 	snop  }
0x3b: {  	_ = 	snop  }
0x3c: {  	p2 =	seq.s32 s10, $0x1;
	s10 =	sld [smem:$0x3FB6]  }
0x3d: {  	_ =	shalt  }
0x3e: {  	_ =	shalt  }
0x3f: {  	_ =	shalt  }
0x40: {  	_ =	shalt  }
0x41: {  	_ =	shalt  }
0x42: {  	_ =	shalt  }
0x43: {  	_ =	shalt  }
0x44: {  	_ =	shalt  }
0x45: {  	_ =	shalt  }
0x46: {  	_ =	shalt  }
0x47: {  	_ =	shalt  }
0x48: {  	_ =	shalt  }
0x49: {  	_ =	shalt  }
0x4a: {  	_ =	shalt  }
0x4b: {  	_ =	shalt  }
0x4c: {  	_ =	shalt  }
0x4d: {  	_ =	shalt  }
0x4e: {  	_ =	shalt  }
0x4f: {  	_ =	shalt  }
0x50: {  	_ =	shalt  }
0x51: {  	_ =	shalt  }
0x52: {  	_ =	shalt  }
0x53: {  	_ =	shalt  }
0x54: {  	_ =	shalt  }
0x55: {  	_ =	shalt  }
0x56: {  	_ =	shalt  }
0x57: {  	_ =	shalt  }
0x58: {  	_ =	shalt  }
0x59: {  	_ =	shalt  }
0x5a: {  	_ =	shalt  }
0x5b: {  	_ =	shalt  }
0x5c: {  	_ =	shalt  }
0x5d: {  	_ =	shalt  }
0x5e: {  	_ =	shalt  }
0x5f: {  	_ =	shalt  }
0x60: {  	_ =	shalt  }
0x61: {  	_ =	shalt  }
0x62: {  	_ =	shalt  }
0x63: {  	_ =	shalt  }
0x64: {  	_ =	shalt  }
0x65: {  	_ =	shalt  }
0x66: {  	_ =	shalt  }
0x67: {  	_ =	shalt  }
0x68: {  	_ =	shalt  }
0x69: {  	_ =	shalt  }
0x6a: {  	_ =	shalt  }
0x6b: {  	_ =	shalt  }
0x6c: {  	_ =	shalt  }
0x6d: {  	_ =	shalt  }
0x6e: {  	_ =	shalt  }
0x6f: {  	_ =	shalt  }
0x70: {  	_ =	shalt  }
0x71: {  	_ =	shalt  }
0x72: {  	_ =	shalt  }
0x73: {  	_ =	shalt  }
0x74: {  	_ =	shalt  }
0x75: {  	_ =	shalt  }
0x76: {  	_ =	shalt  }
0x77: {  	_ =	shalt  }
0x78: {  	_ =	shalt  }
0x79: {  	_ =	shalt  }
0x7a: {  	_ =	shalt  }
0x7b: {  	_ =	shalt  }
0x7c: {  	_ =	shalt  }
0x7d: {  	_ =	shalt  }
0x7e: {  	_ =	shalt  }
0x7f: {  	_ =	shalt  }
0x80: {  	_ =	shalt  }
0x81: {  	_ =	shalt  }
0x82: {  	_ =	shalt  }
0x83: {  	_ =	shalt  }
0x84: {  	_ =	shalt  }
0x85: {  	_ =	shalt  }
0x86: {  	_ =	shalt  }
0x87: {  	_ =	shalt  }
.Lfunc_end0:
.L_simem_size_0:
called_computation_lowered:
.L_overlay_start_0:
0x88: {  	s2 =	sld [smem:$0x3FD9]  }
0x89: {  	s3 =	sld [smem:$0x3FFE];
	_ =	sdelay $0x1  }
0x8a: {  	s1 =	srdreg.scid  }
0x8b: {  	s0 =	sand.u32 $0x1, s1  }
0x8c: {  	s16 =	sshll.u32 s0, $0xA;
	s2 =	sadd.s32 s3, s2  }
0x8d: {  	s2 =	sadd.s32 s2, s16  }
0x8e: {  	[smem:$0x3FC2] =	sst s2  }
0x8f: {  	_ = 	snop  }
0x90: {  	(tm) =	ssettm $0x1  }
0x91: {  	s17 =	sld [smem:$0x3FFB];
	_ =	sdelay $0x3  }
0x92: {  	_ =	strace s17  }
0x93: {  	s2 =	sld [smem:$0x3FFC];
	_ =	sdelay $0x3  }
0x94: {  	_ =	strace s2  }
0x95: {  	s2 =	sld [smem:$0x3FFD];
	_ =	sdelay $0x3  }
0x96: {  	_ =	strace s2  }
0x97: {  	_ =	strace $0x8FFFFFFF  }
0x98: {  	s18 =	sld [smem:$0x3FDB];
	_ =	sdelay $0x1  }
0x99: {  	s19 =	simm.s32 $_scs_section_size  }
0x9a: {  	s4 =	simm.s32 $_size__tile_overlayer_lowered;
	s5 =	simm.s32 $_tile_overlayer_lowered  }
0x9b: {  	s22 =	simm.s32 $0x1BFF;
	s21 =	sshll.u32 s5, $0x1;
	s2 =	sadd.s32 s19, s18  }
0x9c: {  	s6 =	simm.s32 $0x0;
	s20 =	sshll.u32 s4, $0x1;
	s4 =	sadd.s32 s21, s2  }
0x9d: {  	[timem:s6], [sflag:s22] =	dma.local [hbm:s4], s20  }
0x9e: {  	_ =	swait.ge [sflag:s22], s20  }
0x9f: {  	s3 =	ssub.s32 $0x0, s20;
	[sflag:s22] =	ssyncset.done $0x0  }
0xa0: {  	[sflag:s22] =	ssyncadd.s32 s3;
	_ =	sdelay $0x1  }
0xa1: {  	s23 =	simm.s32 $0x1B8B  }
0xa2: {  	_ =	swait.ge [sflag:s23], $0x1  }
0xa3: {  	[sflag:s23] =	ssyncset.done $0x0  }
0xa4: {  	s25 =	simm.s32 $0x1B8E;
	s24 =	sld [smem:$0x3FFE];
	[sflag:s23] =	ssyncadd.s32 $0xFFFFFFFF  }
0xa5: {  	s26 =	simm.s32 $execute0_lowered;
	[smem:$0x3FD2] =	sst s25  }
0xa6: {  	s4 =	sshll.u32 s26, $0x1;
	_ =	strace $0x80000046;
	[dreg:$0x1] =	wrdreg $0xFFFFFFFF  }
0xa7: {  	s28 =	simm.s32 $_size_execute0_lowered;
	s2 =	sadd.s32 s2, s4;
	[dreg:$0x0] =	wrdreg $0x0  }
0xa8: {  	s4 =	sshll.u32 s28, $0x1;
	[dreg:$0x2] =	wrdreg s2  }
0xa9: {  	[dreg:$0x3] =	wrdreg s4  }
0xaa: {  	[dreg:$0x4] =	wrdreg $0xC0  }
0xab: {  	_ =	task [dreg:s6], $0x5FFFF  }
0xac: {  	[dreg:$0x1] =	wrdreg $0xFFFFFFFF  }
0xad: {  	[dreg:$0x0] =	wrdreg $0x60  }
0xae: {  	[dreg:$0x2] =	wrdreg s24  }
0xaf: {  	[dreg:$0x3] =	wrdreg $0x0  }
0xb0: {  	[dreg:$0x4] =	wrdreg $0x9  }
0xb1: {  	_ =	task.clear_ibuf [dreg:s6], $0x5FFFF;
	_ =	strace $0x90000046  }
0xb2: {  	s29 =	simm.s32 $0x9;
	_ =	strace $0x80000048  }
0xb3: {  	_ =	swait.ge [sflag:s29], $0x1  }
0xb4: {  	[sflag:s29] =	ssyncadd.s32 $0xFFFFFFFF  }
0xb5: {  	_ =	strace $0x90000048  }
0xb6: {  	_ =	sfence  }
0xb7: {  	s30 =	sld [smem:$0x0];
	_ =	sdelay $0x2  }
0xb8: {  	s31 =	sshll.u32 s1, $0xD;
	s1 =	sshrl.u32 s1, $0x2  }
0xb9: {  	s3 =	sand.u32 $0x4000, s31;
	s1 =	sadd.s32 s1, s30  }
0xba: {  	s0 =	sor.u32 s3, s0;
	s1 =	sshll.u32 s1, $0x11  }
0xbb: {  	s0 =	sor.u32 s1, s0  }
0xbc: {  	s0 =	sadd.s32 $0x8F2B, s0  }
0xbd: {  	[sflag:s0] =	ssyncadd.remote.s32 $0x1  }
0xbe: {  	_ =	sfence.sel $0xFFFF  }
0xbf: {  	[dreg:$0x0] =	wrdreg $0xFFFFFFFF;
	(pc) =	sbr.abs _section_cstart, $3  }
0xc0: {  	[dreg:$0x1] =	wrdreg $0xFFFFFFFF  }
0xc1: {  	_ =	task.clear_ibuf [dreg:s6], $0x2FFFF;
	_ =	strace $0x9FFFFFFF  }
0xc2: {  	(tm) =	ssettm $0x7FFFFFFF  }
0xc3: {  	_ =	shalt  }
tec
execute0_lowered:
.L_overlay_start_1:
0x0: {  	(tag) =	ssettag $0x1  }
0x1: {  	s1 =	srdreg.scid  }
0x2: {  	s1 =	sand.u32 $0x1, s1  }
0x3: {  	p0 =	seq.s32 s1, $0x1  }
.Ltmp0:
0x4: {  	_ = 	snop;
	(pc) =	sbr.rel @p0 .LBB2_4-.Ltmp0, $4  }
0x5: {  	s3 =	rddreg [dreg:$0x0]  }
0x6: {  	s2 =	rddreg [dreg:$0x1];
	s4 =	simm.s32 $0x0  }
0x7: {  	[smem:$0x7FF] =	sst s4  }
0x8: {  	s0 =	rddreg [dreg:$0x2];
	_ =	strace $0x80000047;
	s1 =	stileid.u32  }
0x9: {  	v0 =	vimm.f32 $0.0e+00  }
0xa: {  	[tilespmem:$0x280] =	vst v0  }
0xb: {  	[tilespmem:$0x290] =	vst v0  }
0xc: {  	[tilespmem:$0x2A0] =	vst v0  }
0xd: {  	[tilespmem:$0x2B0] =	vst v0  }
0xe: {  	[tilespmem:$0x2C0] =	vst v0  }
0xf: {  	[tilespmem:$0x2D0] =	vst v0  }
0x10: {  	[tilespmem:$0x2E0] =	vst v0  }
0x11: {  	[tilespmem:$0x2F0] =	vst v0  }
0x12: {  	[tilespmem:$0x300] =	vst v0  }
0x13: {  	[tilespmem:$0x310] =	vst v0  }
0x14: {  	[tilespmem:$0x320] =	vst v0  }
0x15: {  	[tilespmem:$0x330] =	vst v0  }
0x16: {  	[tilespmem:$0x340] =	vst v0  }
0x17: {  	[tilespmem:$0x350] =	vst v0  }
0x18: {  	[tilespmem:$0x360] =	vst v0  }
0x19: {  	[tilespmem:$0x370] =	vst v0  }
0x1a: {  	[tilespmem:$0x380] =	vst v0  }
0x1b: {  	[tilespmem:$0x390] =	vst v0  }
0x1c: {  	[tilespmem:$0x3A0] =	vst v0  }
0x1d: {  	[tilespmem:$0x3B0] =	vst v0  }
0x1e: {  	[tilespmem:$0x3C0] =	vst v0  }
0x1f: {  	[tilespmem:$0x3D0] =	vst v0  }
0x20: {  	[tilespmem:$0x3E0] =	vst v0  }
0x21: {  	[tilespmem:$0x3F0] =	vst v0  }
0x22: {  	[tilespmem:$0x400] =	vst v0  }
0x23: {  	[tilespmem:$0x410] =	vst v0  }
0x24: {  	[tilespmem:$0x420] =	vst v0  }
0x25: {  	[tilespmem:$0x430] =	vst v0  }
0x26: {  	[tilespmem:$0x440] =	vst v0  }
0x27: {  	[tilespmem:$0x450] =	vst v0  }
0x28: {  	[tilespmem:$0x460] =	vst v0  }
0x29: {  	[tilespmem:$0x470] =	vst v0  }
0x2a: {  	[tilespmem:$0x480] =	vst v0  }
0x2b: {  	[tilespmem:$0x490] =	vst v0  }
0x2c: {  	[tilespmem:$0x4A0] =	vst v0  }
0x2d: {  	s5 =	smul.u32 $0x280, s1;
	[tilespmem:$0x4B0] =	vst v0  }
0x2e: {  	s4 =	smul.u32 $0x4E2, s1;
	[tilespmem:$0x4C0] =	vst v0  }
0x2f: {  	s7 =	simm.s32 $0x0;
	[tilespmem:$0x4D0] =	vst v0;
	s6 =	sshrl.u32 s5, $0x3  }
0x30: {  	[tilespmem:$0x4E0] =	vst v0;
	s4 =	sadd.s32 s4, s3;
	s6 =	sadd.s32 s6, s3;
	s3 =	sadd.s32 s5, s2  }
0x31: {  	[tilespmem:$0x4F0] =	vst v0;
	v0 =	vimm.f32 $1.000000000e+00;
	s5 =	sadd.s32 $0x5600, s4;
	s4 =	sadd.s32 $0xA600, s6;
	s6 =	simm.s32 $0x40  }
.LBB2_2:
0x32: {  	p0 =	sne.s32 s6, $0x9C00;
	[tilespmem:s7+$0x500] =	vst v0;
	s7 =	smov.u32 s6;
	s6 =	sadd.s32 $0x40, s6  }
.Ltmp1:
0x33: {  	(pc) =	sbr.rel @p0 .LBB2_2-.Ltmp1, $2  }
0x34: {  	_ =	sdelay $0x2  }
0x35: {  	s7 =	sshra.s32 s7, $0x2  }
0x36: {  	[tilespmem:s7+$0x500] =	vst v0;
	s6 =	simm.s32 $0x280;
	s25 =	simm.s32 $0x1  }
0x37: {  	[spmem:s3] =	stream.linear.scatter [tilespmem:s6], [sflag:$0x1], $0x280, $0x38;
	[tilespmem:$0x5320] =	vst v63  }
0x38: {  	_ =	swait.ge [sflag:s25], $0x280  }
0x39: {  	[sflag:s25] =	ssyncset.done $0x0  }
0x3a: {  	s26 =	simm.s32 $0x0;
	s8 =	simm.s32 $0x2C10;
	[sflag:s25] =	ssyncadd.s32 $0xFFFFFD80  }
0x3b: {  	[tilespmem:s8], [sflag:$0x1] =	stream.linear.gather [hbm4b:s5+s26], $0x2710, $0x38;
	[tilespmem:$0x5320] =	vst v63  }
0x3c: {  	_ =	swait.ge [sflag:s25], $0x2710  }
0x3d: {  	[sflag:s25] =	ssyncset.done $0x0  }
0x3e: {  	[sflag:s25] =	ssyncadd.s32 $0xFFFFD8F0  }
0x3f: {  	s28 =	simm.s32 $0x2710;
	s29 =	simm.s32 $0x500;
	[bflag:$0x0] =	sbarrier.arrive $0xFFFF  }
0x40: {  	[spmem:s2] =	stream.indirect.scatter.add.f32 [tilespmem:s29], [sflag:$0x1], $0x1, s8, s28, $0xb8;
	[tilespmem:$0x5320] =	vst v63  }
0x41: {  	_ =	swait.ge [sflag:s25], $0x2710  }
0x42: {  	[sflag:s25] =	ssyncset.done $0x0  }
0x43: {  	s30 =	sshll.u32 s1, $0x6;
	[sflag:s25] =	ssyncadd.s32 $0xFFFFD8F0  }
0x44: {  	s31 =	sshrl.u32 s3, $0x3;
	s2 =	sor.u32 $0x1C01, s30;
	[bflag:$0x0] =	sbarrier.arrive $0xFFFF  }
0x45: {  	[hbm:s4], [sflag:s2] =	dma.local [spmem:s31], $0x50  }
0x46: {  	_ =	swait.ge [sflag:s25], $0x50  }
0x47: {  	[sflag:s25] =	ssyncset.done $0x0  }
0x48: {  	[sflag:s25] =	ssyncadd.s32 $0xFFFFFFB0  }
.LBB2_4:
0x49: {  	_ =	sfence.sel $0x180000  }
0x4a: {  	[bflag:$0x0] =	sbarrier.arrive $0xFFFF  }
0x4b: {  	p0 =	sne.s32 s1, $0x0;
	_ =	strace $0x90000047  }
0x4c: {  	s0 =	sadd.s32 @!p0 $0x100000, s0;
	[bflag:$0x2] =	sbarrier.arrive $0xFFFF  }
0x4d: {  	[sflag:s0] =	ssyncadd.tile.s32 @!p0 $0x1;
	_ =	shalt  }
.Lfunc_end2:
_tile_overlayer_lowered:
.L_overlay_start_2:
0x4e: {  	(tag) =	ssettag $0x2  }
0x4f: {  	s0 =	rddreg [dreg:$0x0];
	s2 =	stileid.u32  }
0x50: {  	s1 =	rddreg [dreg:$0x1];
	p0 =	sne.s32 s2, $0x0  }
0x51: {  	s3 =	rddreg [dreg:$0x2];
	[bflag:$0x3] =	sbarrier.arrive $0xFFFF;
	s2 =	simm.s32 @!p0 $0x1C01  }
0x52: {  	[timem:s3], [sflag:s2] =	dma.local @!p0 [hbm:s0], s1  }
0x53: {  	s0 =	simm.s32 @!p0 $0x1  }
0x54: {  	_ =	swait.ge @!p0 [sflag:s0], s1  }
0x55: {  	s1 =	ssub.s32 @!p0 $0x0, s1;
	[sflag:s0] =	ssyncset.done @!p0 $0x0  }
0x56: {  	[sflag:s0] =	ssyncadd.s32 @!p0 s1  }
0x57: {  	[bflag:$0x3] =	sbarrier.arrive $0xFFFF  }
0x58: {  	_ =	shalt  }

</sc_bundles>
